<compile_context>
chip_gen: v7x
topology: tpu7x:2x2x1
jax: 0.10.2.dev20260603
libtpu: 0.0.44.dev20260713+nightly
codegen_flags: <defaults>
</compile_context>

<pallas_src>
import functools

import jax
import jax.numpy as jnp
from jax import lax
from jax.experimental import pallas as pl
from jax.experimental.pallas import tpu as pltpu
from jax.experimental.pallas import tpu_sc as plsc

B = 16384
D = 128
NC, NS = 2, 16
NW = NC * NS
NCHUNK = 1
CB = B // NCHUNK
BPW = CB // NW
TC_BLK = 2048


NB = 3
PF = 2
NSPLIT = 2
STEP = BPW // NSPLIT


def _sc_gather_body(head_hbm, tail_hbm, rg_hbm, ap_hbm, ent_hbm, gn_hbm,
                    out_hbm, hidx, tidx, *scratch):
    bufs = scratch[:NB]
    gsems = scratch[NB:2 * NB]
    wsems = scratch[2 * NB:3 * NB]
    wid = lax.axis_index("s") * NC + lax.axis_index("c")
    base = wid * BPW
    pltpu.sync_copy(head_hbm.at[pl.ds(base, BPW)], hidx)
    pltpu.sync_copy(tail_hbm.at[pl.ds(base, BPW)], tidx)
    plan = [(rg_hbm, hidx, 0), (rg_hbm, tidx, 1),
            (ap_hbm, hidx, 2), (ap_hbm, tidx, 3),
            (ent_hbm, hidx, 4), (ent_hbm, tidx, 5),
            (gn_hbm, hidx, 6), (gn_hbm, tidx, 7)]
    steps = [(tab, idx, col, h)
             for tab, idx, col in plan for h in range(NSPLIT)]
    n = len(steps)

    def gstart(k):
        tab, idx, _, h = steps[k]
        b = k % NB
        return pltpu.async_copy(tab.at[idx.at[pl.ds(h * STEP, STEP)]],
                                bufs[b], gsems[b])

    def wstart(k):
        _, _, col, h = steps[k]
        b = k % NB
        return pltpu.async_copy(
            bufs[b],
            out_hbm.at[col, pl.ds(base + h * STEP, STEP)],
            wsems[b])

    gh = [None] * n
    wh = [None] * n
    for k in range(PF):
        gh[k] = gstart(k)
    for k in range(n):
        j = k + PF
        if j < n and j >= NB:
            wh[j - NB].wait()
        if j < n:
            gh[j] = gstart(j)
        gh[k].wait()
        wh[k] = wstart(k)
    for k in range(n - NB, n):
        wh[k].wait()


def _sc_gather(head, tail, rg, ap, ent, gn):
    mesh = plsc.VectorSubcoreMesh(core_axis_name="c", subcore_axis_name="s",
                                  num_cores=NC, num_subcores=NS)
    fn = functools.partial(
        pl.kernel, mesh=mesh,
        out_type=jax.ShapeDtypeStruct((8, CB, D), jnp.float32),
        scratch_types=(
            [pltpu.VMEM((BPW,), jnp.int32),
             pltpu.VMEM((BPW,), jnp.int32)]
            + [pltpu.VMEM((STEP, D), jnp.float32)] * NB
            + [pltpu.SemaphoreType.DMA] * (2 * NB)
        ),
    )(_sc_gather_body)
    return fn(head, tail, rg, ap, ent, gn)


def _tc_mlp_body(rel_ref, g_ref, rel_emb_ref, w1_ref, b1_ref, w2_ref,
                 b2_ref, out_ref):
    rel_row = rel_ref[0]
    onehot_t = (lax.broadcasted_iota(jnp.int32, (64, TC_BLK), 0)
                == rel_row).astype(jnp.float32)
    r_e = lax.dot_general(onehot_t, rel_emb_ref[...],
                          (((0,), (0,)), ((), ())),
                          preferred_element_type=jnp.float32)
    s = jax.nn.sigmoid(g_ref[4] + r_e - g_ref[5])
    hid = (jnp.dot(s, w1_ref[4 * D:5 * D, :],
                   preferred_element_type=jnp.float32)
           + b1_ref[...])
    for k, w0 in ((0, 0), (1, 1), (2, 2), (3, 3), (6, 5), (7, 6)):
        hid += jnp.dot(g_ref[k], w1_ref[w0 * D:(w0 + 1) * D, :],
                       preferred_element_type=jnp.float32)
    hid = jnp.maximum(hid, 0.0)
    logits_t = lax.dot_general(w2_ref[...], hid,
                               (((0,), (1,)), ((), ())),
                               preferred_element_type=jnp.float32)
    logits_t += b2_ref[...]
    m = jnp.max(logits_t, axis=0, keepdims=True)
    e = jnp.exp(logits_t - m)
    out_ref[...] = e / jnp.sum(e, axis=0, keepdims=True)


def _tc_mlp(rel3d, g, rel_emb, w1, b1, w2, b2):
    nblk = CB // TC_BLK
    return pl.pallas_call(
        _tc_mlp_body,
        grid=(nblk,),
        in_specs=[
            pl.BlockSpec((1, 1, TC_BLK), lambda i: (i, 0, 0)),
            pl.BlockSpec((8, TC_BLK, D), lambda i: (0, i, 0)),
            pl.BlockSpec((64, D), lambda i: (0, 0)),
            pl.BlockSpec((7 * D, D), lambda i: (0, 0)),
            pl.BlockSpec((1, D), lambda i: (0, 0)),
            pl.BlockSpec((D, 2), lambda i: (0, 0)),
            pl.BlockSpec((2, 1), lambda i: (0, 0)),
        ],
        out_specs=pl.BlockSpec((2, TC_BLK), lambda i: (0, i)),
        out_shape=jax.ShapeDtypeStruct((2, CB), jnp.float32),
    )(rel3d, g, rel_emb, w1, b1, w2, b2)


def kernel(head, rel, tail, ent_emb, rel_emb, rg_feature, ap_feature,
           gn_feature, W1, b1, W2, b2):
    g = _sc_gather(head, tail, rg_feature, ap_feature, ent_emb, gn_feature)
    out_t = _tc_mlp(rel.reshape(B // TC_BLK, 1, TC_BLK), g, rel_emb, W1,
                    b1.reshape(1, D), W2, b2.reshape(2, 1))
    return out_t.T

# --- scband reference (transcript-rebuilt; emitter-appended) ---
"""Pipeline reference for scband-mix-kgatconv-79474074845474 (READ-ONLY COPY).

The authoritative reference and input builder live on the scoring server;
editing this copy changes nothing except your own understanding.
"""

import jax, jax.numpy as jnp
import numpy as np

NUM_ENTS = 100000
NUM_RELS = 64
EMB_DIM = 128
BATCH = 16384
MLP_DIM = EMB_DIM * 2 * 3 + EMB_DIM  # model_type 'pr': rg(2d)+ap(2d)+gn(2d)+s(d) = 7d = 896


def setup_inputs(seed: int = 0) -> dict:
    key = jax.random.key(seed)
    ks = jax.random.split(key, 12)
    head = jax.random.randint(ks[0], (BATCH,), 0, NUM_ENTS)
    rel = jax.random.randint(ks[1], (BATCH,), 0, NUM_RELS)
    tail = jax.random.randint(ks[2], (BATCH,), 0, NUM_ENTS)
    ent_emb = jax.random.normal(ks[3], (NUM_ENTS, EMB_DIM), dtype=jnp.float32) * 0.02
    rel_emb = jax.random.normal(ks[4], (NUM_RELS, EMB_DIM), dtype=jnp.float32) * 0.02
    rg_feature = jax.random.normal(ks[5], (NUM_ENTS, EMB_DIM), dtype=jnp.float32) * 0.02
    ap_feature = jax.random.normal(ks[6], (NUM_ENTS, EMB_DIM), dtype=jnp.float32) * 0.02
    gn_feature = jax.random.normal(ks[7], (NUM_ENTS, EMB_DIM), dtype=jnp.float32) * 0.02
    W1 = jax.random.normal(ks[8], (MLP_DIM, EMB_DIM), dtype=jnp.float32) * (1.0 / np.sqrt(MLP_DIM))
    b1 = jnp.zeros((EMB_DIM,), dtype=jnp.float32)
    W2 = jax.random.normal(ks[9], (EMB_DIM, 2), dtype=jnp.float32) * (1.0 / np.sqrt(EMB_DIM))
    b2 = jnp.zeros((2,), dtype=jnp.float32)
    return {"head": head, "rel": rel, "tail": tail,
            "ent_emb": ent_emb, "rel_emb": rel_emb,
            "rg_feature": rg_feature, "ap_feature": ap_feature, "gn_feature": gn_feature,
            "W1": W1, "b1": b1, "W2": W2, "b2": b2}


def reference(head, rel, tail, ent_emb, rel_emb, rg_feature, ap_feature, gn_feature, W1, b1, W2, b2):
    # MixKGATConv.forward (model_type='pr', trans_type='TransE')
    rg_emb = jnp.concatenate([jnp.take(rg_feature, head, axis=0), jnp.take(rg_feature, tail, axis=0)], axis=1)
    ap_emb = jnp.concatenate([jnp.take(ap_feature, head, axis=0), jnp.take(ap_feature, tail, axis=0)], axis=1)
    gn_emb = jnp.concatenate([jnp.take(gn_feature, head, axis=0), jnp.take(gn_feature, tail, axis=0)], axis=1)
    # TransE per-dimension score vector: h + r - t
    h_e = jnp.take(ent_emb, head, axis=0)
    r_e = jnp.take(rel_emb, rel, axis=0)
    t_e = jnp.take(ent_emb, tail, axis=0)
    s_emb = jax.nn.sigmoid(h_e + r_e - t_e)
    o_emb = jnp.concatenate([rg_emb, ap_emb, s_emb, gn_emb], axis=1)
    # FNNNet
    hid = jax.nn.relu(o_emb @ W1 + b1)
    logits = hid @ W2 + b2
    return jax.nn.softmax(logits, axis=-1)

if __name__ == "__main__":
    import jax
    _d = setup_inputs()
    print(jax.jit(kernel)(*tuple(_d.values())))

</pallas_src>

<mosaic_0001>
#map = affine_map<(d0, d1) -> (0)>
#map1 = affine_map<(d0, d1) -> (0, 0)>
#map2 = affine_map<(d0, d1) -> (0, 0, 0)>
module attributes {stable_mosaic.version = 14 : i64} {
  func.func @_sc_gather_body(%arg0: i32, %arg1: i32, %arg2: memref<16384xi32, #tpu.memory_space<hbm>>, %arg3: memref<16384xi32, #tpu.memory_space<hbm>>, %arg4: memref<100000x128xf32, #tpu.memory_space<hbm>>, %arg5: memref<100000x128xf32, #tpu.memory_space<hbm>>, %arg6: memref<100000x128xf32, #tpu.memory_space<hbm>>, %arg7: memref<100000x128xf32, #tpu.memory_space<hbm>>, %arg8: memref<8x16384x128xf32, #tpu.memory_space<hbm>>, %arg9: memref<512xi32, #tpu.memory_space<vmem>>, %arg10: memref<512xi32, #tpu.memory_space<vmem>>, %arg11: memref<256x128xf32, #tpu.memory_space<vmem>>, %arg12: memref<256x128xf32, #tpu.memory_space<vmem>>, %arg13: memref<256x128xf32, #tpu.memory_space<vmem>>, %arg14: memref<!tpu.dma_semaphore, #tpu.memory_space<semaphore_mem>>, %arg15: memref<!tpu.dma_semaphore, #tpu.memory_space<semaphore_mem>>, %arg16: memref<!tpu.dma_semaphore, #tpu.memory_space<semaphore_mem>>, %arg17: memref<!tpu.dma_semaphore, #tpu.memory_space<semaphore_mem>>, %arg18: memref<!tpu.dma_semaphore, #tpu.memory_space<semaphore_mem>>, %arg19: memref<!tpu.dma_semaphore, #tpu.memory_space<semaphore_mem>>) attributes {dimension_semantics = [#tpu.dimension_semantics<core_parallel>, #tpu.dimension_semantics<subcore_parallel>], iteration_bounds = array<i64: 2, 16>, scalar_prefetch = 0 : i64, scratch_operands = 11 : i64, tpu.core_type = #tpu.core_type<sc_vector_subcore>, window_params = [{transform_indices = #map}, {transform_indices = #map}, {transform_indices = #map1}, {transform_indices = #map1}, {transform_indices = #map1}, {transform_indices = #map1}, {transform_indices = #map2}]} {
    %mul3A = arith.constant 2 : i32
    %mul3A_0 = arith.muli %arg1, %mul3A : i32
    %add3A = arith.addi %mul3A_0, %arg0 : i32
    %mul3A_1 = arith.constant 512 : i32
    %mul3A_2 = arith.muli %add3A, %mul3A_1 : i32
    "tpu.region"() ({
      %run_scoped3A = tpu.sem_alloc : memref<!tpu.dma_semaphore, #tpu.memory_space<semaphore_mem>>
      %dma_start3A_417 = tpu.memref_slice %arg2[%mul3A_2] : memref<16384xi32, #tpu.memory_space<hbm>> -> memref<512xi32, #tpu.memory_space<hbm>>
      %dma_start3A_418 = tpu.memref_slice %arg2[%mul3A_2] : memref<16384xi32, #tpu.memory_space<hbm>> -> memref<512xi32, #tpu.memory_space<hbm>>
      tpu.enqueue_dma source(%dma_start3A_418 : memref<512xi32, #tpu.memory_space<hbm>>) target(%arg9 : memref<512xi32, #tpu.memory_space<vmem>>) target_semaphore(%run_scoped3A : memref<!tpu.dma_semaphore, #tpu.memory_space<semaphore_mem>>)
      %dma_wait3A_419 = tpu.memref_slice %arg2[%mul3A_2] : memref<16384xi32, #tpu.memory_space<hbm>> -> memref<512xi32, #tpu.memory_space<hbm>>
      %dma_wait3A_420 = tpu.memref_slice %arg2[%mul3A_2] : memref<16384xi32, #tpu.memory_space<hbm>> -> memref<512xi32, #tpu.memory_space<hbm>>
      tpu.wait_dma2 semaphore(%run_scoped3A : memref<!tpu.dma_semaphore, #tpu.memory_space<semaphore_mem>>) src(%dma_wait3A_420 : memref<512xi32, #tpu.memory_space<hbm>>) dst(%arg9 : memref<512xi32, #tpu.memory_space<vmem>>)
      tpu.yield
    }) : () -> ()
    "tpu.region"() ({
      %run_scoped3A = tpu.sem_alloc : memref<!tpu.dma_semaphore, #tpu.memory_space<semaphore_mem>>
      %dma_start3A_417 = tpu.memref_slice %arg3[%mul3A_2] : memref<16384xi32, #tpu.memory_space<hbm>> -> memref<512xi32, #tpu.memory_space<hbm>>
      %dma_start3A_418 = tpu.memref_slice %arg3[%mul3A_2] : memref<16384xi32, #tpu.memory_space<hbm>> -> memref<512xi32, #tpu.memory_space<hbm>>
      tpu.enqueue_dma source(%dma_start3A_418 : memref<512xi32, #tpu.memory_space<hbm>>) target(%arg10 : memref<512xi32, #tpu.memory_space<vmem>>) target_semaphore(%run_scoped3A : memref<!tpu.dma_semaphore, #tpu.memory_space<semaphore_mem>>)
      %dma_wait3A_419 = tpu.memref_slice %arg3[%mul3A_2] : memref<16384xi32, #tpu.memory_space<hbm>> -> memref<512xi32, #tpu.memory_space<hbm>>
      %dma_wait3A_420 = tpu.memref_slice %arg3[%mul3A_2] : memref<16384xi32, #tpu.memory_space<hbm>> -> memref<512xi32, #tpu.memory_space<hbm>>
      tpu.wait_dma2 semaphore(%run_scoped3A : memref<!tpu.dma_semaphore, #tpu.memory_space<semaphore_mem>>) src(%dma_wait3A_420 : memref<512xi32, #tpu.memory_space<hbm>>) dst(%arg10 : memref<512xi32, #tpu.memory_space<vmem>>)
      tpu.yield
    }) : () -> ()
    %dma_start3A = arith.constant 0 : i32
    %dma_start3A_3 = tpu.memref_slice %arg9[%dma_start3A] : memref<512xi32, #tpu.memory_space<vmem>> -> memref<256xi32, #tpu.memory_space<vmem>>
    %dma_start3A_4 = arith.constant 0 : i32
    %dma_start3A_5 = arith.constant 0 : i32
    %dma_start3A_6 = tpu.memref_slice %arg4[%dma_start3A_4, %dma_start3A_5] : memref<100000x128xf32, #tpu.memory_space<hbm>> -> memref<100000x128xf32, #tpu.memory_space<hbm>>
    tpu.enqueue_indirect_dma source(%dma_start3A_6 : memref<100000x128xf32, #tpu.memory_space<hbm>>) target(%arg11 : memref<256x128xf32, #tpu.memory_space<vmem>>) offsets(%dma_start3A_3 : memref<256xi32, #tpu.memory_space<vmem>>) semaphore(%arg14 : memref<!tpu.dma_semaphore, #tpu.memory_space<semaphore_mem>>)
    %dma_start3A_7 = arith.constant 256 : i32
    %dma_start3A_8 = tpu.memref_slice %arg9[%dma_start3A_7] : memref<512xi32, #tpu.memory_space<vmem>> -> memref<256xi32, #tpu.memory_space<vmem>>
    %dma_start3A_9 = arith.constant 0 : i32
    %dma_start3A_10 = arith.constant 0 : i32
    %dma_start3A_11 = tpu.memref_slice %arg4[%dma_start3A_9, %dma_start3A_10] : memref<100000x128xf32, #tpu.memory_space<hbm>> -> memref<100000x128xf32, #tpu.memory_space<hbm>>
    tpu.enqueue_indirect_dma source(%dma_start3A_11 : memref<100000x128xf32, #tpu.memory_space<hbm>>) target(%arg12 : memref<256x128xf32, #tpu.memory_space<vmem>>) offsets(%dma_start3A_8 : memref<256xi32, #tpu.memory_space<vmem>>) semaphore(%arg15 : memref<!tpu.dma_semaphore, #tpu.memory_space<semaphore_mem>>)
    %dma_start3A_12 = arith.constant 0 : i32
    %dma_start3A_13 = tpu.memref_slice %arg10[%dma_start3A_12] : memref<512xi32, #tpu.memory_space<vmem>> -> memref<256xi32, #tpu.memory_space<vmem>>
    %dma_start3A_14 = arith.constant 0 : i32
    %dma_start3A_15 = arith.constant 0 : i32
    %dma_start3A_16 = tpu.memref_slice %arg4[%dma_start3A_14, %dma_start3A_15] : memref<100000x128xf32, #tpu.memory_space<hbm>> -> memref<100000x128xf32, #tpu.memory_space<hbm>>
    tpu.enqueue_indirect_dma source(%dma_start3A_16 : memref<100000x128xf32, #tpu.memory_space<hbm>>) target(%arg13 : memref<256x128xf32, #tpu.memory_space<vmem>>) offsets(%dma_start3A_13 : memref<256xi32, #tpu.memory_space<vmem>>) semaphore(%arg16 : memref<!tpu.dma_semaphore, #tpu.memory_space<semaphore_mem>>)
    %dma_wait3A = arith.constant 0 : i32
    %dma_wait3A_17 = tpu.memref_slice %arg9[%dma_wait3A] : memref<512xi32, #tpu.memory_space<vmem>> -> memref<256xi32, #tpu.memory_space<vmem>>
    %dma_wait3A_18 = arith.constant 0 : i32
    %dma_wait3A_19 = arith.constant 0 : i32
    %dma_wait3A_20 = tpu.memref_slice %arg4[%dma_wait3A_18, %dma_wait3A_19] : memref<100000x128xf32, #tpu.memory_space<hbm>> -> memref<100000x128xf32, #tpu.memory_space<hbm>>
    tpu.wait_indirect_dma semaphore(%arg14 : memref<!tpu.dma_semaphore, #tpu.memory_space<semaphore_mem>>) src(%dma_wait3A_20 : memref<100000x128xf32, #tpu.memory_space<hbm>>) dst(%arg11 : memref<256x128xf32, #tpu.memory_space<vmem>>)
    %add3A_21 = arith.constant 0 : i32
    %add3A_22 = arith.addi %mul3A_2, %add3A_21 : i32
    %dma_start3A_23 = arith.constant 0 : i32
    %dma_start3A_24 = arith.constant 0 : i32
    %dma_start3A_25 = tpu.memref_slice %arg8[%dma_start3A_23, %add3A_22, %dma_start3A_24] : memref<8x16384x128xf32, #tpu.memory_space<hbm>> -> memref<1x256x128xf32, #tpu.memory_space<hbm>>
    %dma_start3A_26 = tpu.memref_squeeze %dma_start3A_25 : memref<1x256x128xf32, #tpu.memory_space<hbm>> -> memref<256x128xf32, #tpu.memory_space<hbm>>
    %dma_start3A_27 = arith.constant 0 : i32
    %dma_start3A_28 = tpu.memref_slice %arg8[%dma_start3A_23, %add3A_22, %dma_start3A_27] : memref<8x16384x128xf32, #tpu.memory_space<hbm>> -> memref<1x256x128xf32, #tpu.memory_space<hbm>>
    %dma_start3A_29 = tpu.memref_squeeze %dma_start3A_28 : memref<1x256x128xf32, #tpu.memory_space<hbm>> -> memref<256x128xf32, #tpu.memory_space<hbm>>
    tpu.enqueue_dma source(%arg11 : memref<256x128xf32, #tpu.memory_space<vmem>>) target(%dma_start3A_29 : memref<256x128xf32, #tpu.memory_space<hbm>>) target_semaphore(%arg17 : memref<!tpu.dma_semaphore, #tpu.memory_space<semaphore_mem>>)
    %dma_wait3A_30 = arith.constant 0 : i32
    %dma_wait3A_31 = arith.constant 0 : i32
    %dma_wait3A_32 = tpu.memref_slice %arg8[%dma_wait3A_30, %add3A_22, %dma_wait3A_31] : memref<8x16384x128xf32, #tpu.memory_space<hbm>> -> memref<1x256x128xf32, #tpu.memory_space<hbm>>
    %dma_wait3A_33 = tpu.memref_squeeze %dma_wait3A_32 : memref<1x256x128xf32, #tpu.memory_space<hbm>> -> memref<256x128xf32, #tpu.memory_space<hbm>>
    %dma_wait3A_34 = arith.constant 0 : i32
    %dma_wait3A_35 = tpu.memref_slice %arg8[%dma_wait3A_30, %add3A_22, %dma_wait3A_34] : memref<8x16384x128xf32, #tpu.memory_space<hbm>> -> memref<1x256x128xf32, #tpu.memory_space<hbm>>
    %dma_wait3A_36 = tpu.memref_squeeze %dma_wait3A_35 : memref<1x256x128xf32, #tpu.memory_space<hbm>> -> memref<256x128xf32, #tpu.memory_space<hbm>>
    tpu.wait_dma2 semaphore(%arg17 : memref<!tpu.dma_semaphore, #tpu.memory_space<semaphore_mem>>) src(%arg11 : memref<256x128xf32, #tpu.memory_space<vmem>>) dst(%dma_wait3A_36 : memref<256x128xf32, #tpu.memory_space<hbm>>)
    %dma_start3A_37 = arith.constant 256 : i32
    %dma_start3A_38 = tpu.memref_slice %arg10[%dma_start3A_37] : memref<512xi32, #tpu.memory_space<vmem>> -> memref<256xi32, #tpu.memory_space<vmem>>
    %dma_start3A_39 = arith.constant 0 : i32
    %dma_start3A_40 = arith.constant 0 : i32
    %dma_start3A_41 = tpu.memref_slice %arg4[%dma_start3A_39, %dma_start3A_40] : memref<100000x128xf32, #tpu.memory_space<hbm>> -> memref<100000x128xf32, #tpu.memory_space<hbm>>
    tpu.enqueue_indirect_dma source(%dma_start3A_41 : memref<100000x128xf32, #tpu.memory_space<hbm>>) target(%arg11 : memref<256x128xf32, #tpu.memory_space<vmem>>) offsets(%dma_start3A_38 : memref<256xi32, #tpu.memory_space<vmem>>) semaphore(%arg14 : memref<!tpu.dma_semaphore, #tpu.memory_space<semaphore_mem>>)
    %dma_wait3A_42 = arith.constant 256 : i32
    %dma_wait3A_43 = tpu.memref_slice %arg9[%dma_wait3A_42] : memref<512xi32, #tpu.memory_space<vmem>> -> memref<256xi32, #tpu.memory_space<vmem>>
    %dma_wait3A_44 = arith.constant 0 : i32
    %dma_wait3A_45 = arith.constant 0 : i32
    %dma_wait3A_46 = tpu.memref_slice %arg4[%dma_wait3A_44, %dma_wait3A_45] : memref<100000x128xf32, #tpu.memory_space<hbm>> -> memref<100000x128xf32, #tpu.memory_space<hbm>>
    tpu.wait_indirect_dma semaphore(%arg15 : memref<!tpu.dma_semaphore, #tpu.memory_space<semaphore_mem>>) src(%dma_wait3A_46 : memref<100000x128xf32, #tpu.memory_space<hbm>>) dst(%arg12 : memref<256x128xf32, #tpu.memory_space<vmem>>)
    %add3A_47 = arith.constant 256 : i32
    %add3A_48 = arith.addi %mul3A_2, %add3A_47 : i32
    %dma_start3A_49 = arith.constant 0 : i32
    %dma_start3A_50 = arith.constant 0 : i32
    %dma_start3A_51 = tpu.memref_slice %arg8[%dma_start3A_49, %add3A_48, %dma_start3A_50] : memref<8x16384x128xf32, #tpu.memory_space<hbm>> -> memref<1x256x128xf32, #tpu.memory_space<hbm>>
    %dma_start3A_52 = tpu.memref_squeeze %dma_start3A_51 : memref<1x256x128xf32, #tpu.memory_space<hbm>> -> memref<256x128xf32, #tpu.memory_space<hbm>>
    %dma_start3A_53 = arith.constant 0 : i32
    %dma_start3A_54 = tpu.memref_slice %arg8[%dma_start3A_49, %add3A_48, %dma_start3A_53] : memref<8x16384x128xf32, #tpu.memory_space<hbm>> -> memref<1x256x128xf32, #tpu.memory_space<hbm>>
    %dma_start3A_55 = tpu.memref_squeeze %dma_start3A_54 : memref<1x256x128xf32, #tpu.memory_space<hbm>> -> memref<256x128xf32, #tpu.memory_space<hbm>>
    tpu.enqueue_dma source(%arg12 : memref<256x128xf32, #tpu.memory_space<vmem>>) target(%dma_start3A_55 : memref<256x128xf32, #tpu.memory_space<hbm>>) target_semaphore(%arg18 : memref<!tpu.dma_semaphore, #tpu.memory_space<semaphore_mem>>)
    %dma_wait3A_56 = arith.constant 0 : i32
    %dma_wait3A_57 = arith.constant 0 : i32
    %dma_wait3A_58 = tpu.memref_slice %arg8[%dma_wait3A_56, %add3A_48, %dma_wait3A_57] : memref<8x16384x128xf32, #tpu.memory_space<hbm>> -> memref<1x256x128xf32, #tpu.memory_space<hbm>>
    %dma_wait3A_59 = tpu.memref_squeeze %dma_wait3A_58 : memref<1x256x128xf32, #tpu.memory_space<hbm>> -> memref<256x128xf32, #tpu.memory_space<hbm>>
    %dma_wait3A_60 = arith.constant 0 : i32
    %dma_wait3A_61 = tpu.memref_slice %arg8[%dma_wait3A_56, %add3A_48, %dma_wait3A_60] : memref<8x16384x128xf32, #tpu.memory_space<hbm>> -> memref<1x256x128xf32, #tpu.memory_space<hbm>>
    %dma_wait3A_62 = tpu.memref_squeeze %dma_wait3A_61 : memref<1x256x128xf32, #tpu.memory_space<hbm>> -> memref<256x128xf32, #tpu.memory_space<hbm>>
    tpu.wait_dma2 semaphore(%arg18 : memref<!tpu.dma_semaphore, #tpu.memory_space<semaphore_mem>>) src(%arg12 : memref<256x128xf32, #tpu.memory_space<vmem>>) dst(%dma_wait3A_62 : memref<256x128xf32, #tpu.memory_space<hbm>>)
    %dma_start3A_63 = arith.constant 0 : i32
    %dma_start3A_64 = tpu.memref_slice %arg9[%dma_start3A_63] : memref<512xi32, #tpu.memory_space<vmem>> -> memref<256xi32, #tpu.memory_space<vmem>>
    %dma_start3A_65 = arith.constant 0 : i32
    %dma_start3A_66 = arith.constant 0 : i32
    %dma_start3A_67 = tpu.memref_slice %arg5[%dma_start3A_65, %dma_start3A_66] : memref<100000x128xf32, #tpu.memory_space<hbm>> -> memref<100000x128xf32, #tpu.memory_space<hbm>>
    tpu.enqueue_indirect_dma source(%dma_start3A_67 : memref<100000x128xf32, #tpu.memory_space<hbm>>) target(%arg12 : memref<256x128xf32, #tpu.memory_space<vmem>>) offsets(%dma_start3A_64 : memref<256xi32, #tpu.memory_space<vmem>>) semaphore(%arg15 : memref<!tpu.dma_semaphore, #tpu.memory_space<semaphore_mem>>)
    %dma_wait3A_68 = arith.constant 0 : i32
    %dma_wait3A_69 = tpu.memref_slice %arg10[%dma_wait3A_68] : memref<512xi32, #tpu.memory_space<vmem>> -> memref<256xi32, #tpu.memory_space<vmem>>
    %dma_wait3A_70 = arith.constant 0 : i32
    %dma_wait3A_71 = arith.constant 0 : i32
    %dma_wait3A_72 = tpu.memref_slice %arg4[%dma_wait3A_70, %dma_wait3A_71] : memref<100000x128xf32, #tpu.memory_space<hbm>> -> memref<100000x128xf32, #tpu.memory_space<hbm>>
    tpu.wait_indirect_dma semaphore(%arg16 : memref<!tpu.dma_semaphore, #tpu.memory_space<semaphore_mem>>) src(%dma_wait3A_72 : memref<100000x128xf32, #tpu.memory_space<hbm>>) dst(%arg13 : memref<256x128xf32, #tpu.memory_space<vmem>>)
    %add3A_73 = arith.constant 0 : i32
    %add3A_74 = arith.addi %mul3A_2, %add3A_73 : i32
    %dma_start3A_75 = arith.constant 1 : i32
    %dma_start3A_76 = arith.constant 0 : i32
    %dma_start3A_77 = tpu.memref_slice %arg8[%dma_start3A_75, %add3A_74, %dma_start3A_76] : memref<8x16384x128xf32, #tpu.memory_space<hbm>> -> memref<1x256x128xf32, #tpu.memory_space<hbm>>
    %dma_start3A_78 = tpu.memref_squeeze %dma_start3A_77 : memref<1x256x128xf32, #tpu.memory_space<hbm>> -> memref<256x128xf32, #tpu.memory_space<hbm>>
    %dma_start3A_79 = arith.constant 0 : i32
    %dma_start3A_80 = tpu.memref_slice %arg8[%dma_start3A_75, %add3A_74, %dma_start3A_79] : memref<8x16384x128xf32, #tpu.memory_space<hbm>> -> memref<1x256x128xf32, #tpu.memory_space<hbm>>
    %dma_start3A_81 = tpu.memref_squeeze %dma_start3A_80 : memref<1x256x128xf32, #tpu.memory_space<hbm>> -> memref<256x128xf32, #tpu.memory_space<hbm>>
    tpu.enqueue_dma source(%arg13 : memref<256x128xf32, #tpu.memory_space<vmem>>) target(%dma_start3A_81 : memref<256x128xf32, #tpu.memory_space<hbm>>) target_semaphore(%arg19 : memref<!tpu.dma_semaphore, #tpu.memory_space<semaphore_mem>>)
    %dma_wait3A_82 = arith.constant 1 : i32
    %dma_wait3A_83 = arith.constant 0 : i32
    %dma_wait3A_84 = tpu.memref_slice %arg8[%dma_wait3A_82, %add3A_74, %dma_wait3A_83] : memref<8x16384x128xf32, #tpu.memory_space<hbm>> -> memref<1x256x128xf32, #tpu.memory_space<hbm>>
    %dma_wait3A_85 = tpu.memref_squeeze %dma_wait3A_84 : memref<1x256x128xf32, #tpu.memory_space<hbm>> -> memref<256x128xf32, #tpu.memory_space<hbm>>
    %dma_wait3A_86 = arith.constant 0 : i32
    %dma_wait3A_87 = tpu.memref_slice %arg8[%dma_wait3A_82, %add3A_74, %dma_wait3A_86] : memref<8x16384x128xf32, #tpu.memory_space<hbm>> -> memref<1x256x128xf32, #tpu.memory_space<hbm>>
    %dma_wait3A_88 = tpu.memref_squeeze %dma_wait3A_87 : memref<1x256x128xf32, #tpu.memory_space<hbm>> -> memref<256x128xf32, #tpu.memory_space<hbm>>
    tpu.wait_dma2 semaphore(%arg19 : memref<!tpu.dma_semaphore, #tpu.memory_space<semaphore_mem>>) src(%arg13 : memref<256x128xf32, #tpu.memory_space<vmem>>) dst(%dma_wait3A_88 : memref<256x128xf32, #tpu.memory_space<hbm>>)
    %dma_start3A_89 = arith.constant 256 : i32
    %dma_start3A_90 = tpu.memref_slice %arg9[%dma_start3A_89] : memref<512xi32, #tpu.memory_space<vmem>> -> memref<256xi32, #tpu.memory_space<vmem>>
    %dma_start3A_91 = arith.constant 0 : i32
    %dma_start3A_92 = arith.constant 0 : i32
    %dma_start3A_93 = tpu.memref_slice %arg5[%dma_start3A_91, %dma_start3A_92] : memref<100000x128xf32, #tpu.memory_space<hbm>> -> memref<100000x128xf32, #tpu.memory_space<hbm>>
    tpu.enqueue_indirect_dma source(%dma_start3A_93 : memref<100000x128xf32, #tpu.memory_space<hbm>>) target(%arg13 : memref<256x128xf32, #tpu.memory_space<vmem>>) offsets(%dma_start3A_90 : memref<256xi32, #tpu.memory_space<vmem>>) semaphore(%arg16 : memref<!tpu.dma_semaphore, #tpu.memory_space<semaphore_mem>>)
    %dma_wait3A_94 = arith.constant 256 : i32
    %dma_wait3A_95 = tpu.memref_slice %arg10[%dma_wait3A_94] : memref<512xi32, #tpu.memory_space<vmem>> -> memref<256xi32, #tpu.memory_space<vmem>>
    %dma_wait3A_96 = arith.constant 0 : i32
    %dma_wait3A_97 = arith.constant 0 : i32
    %dma_wait3A_98 = tpu.memref_slice %arg4[%dma_wait3A_96, %dma_wait3A_97] : memref<100000x128xf32, #tpu.memory_space<hbm>> -> memref<100000x128xf32, #tpu.memory_space<hbm>>
    tpu.wait_indirect_dma semaphore(%arg14 : memref<!tpu.dma_semaphore, #tpu.memory_space<semaphore_mem>>) src(%dma_wait3A_98 : memref<100000x128xf32, #tpu.memory_space<hbm>>) dst(%arg11 : memref<256x128xf32, #tpu.memory_space<vmem>>)
    %add3A_99 = arith.constant 256 : i32
    %add3A_100 = arith.addi %mul3A_2, %add3A_99 : i32
    %dma_start3A_101 = arith.constant 1 : i32
    %dma_start3A_102 = arith.constant 0 : i32
    %dma_start3A_103 = tpu.memref_slice %arg8[%dma_start3A_101, %add3A_100, %dma_start3A_102] : memref<8x16384x128xf32, #tpu.memory_space<hbm>> -> memref<1x256x128xf32, #tpu.memory_space<hbm>>
    %dma_start3A_104 = tpu.memref_squeeze %dma_start3A_103 : memref<1x256x128xf32, #tpu.memory_space<hbm>> -> memref<256x128xf32, #tpu.memory_space<hbm>>
    %dma_start3A_105 = arith.constant 0 : i32
    %dma_start3A_106 = tpu.memref_slice %arg8[%dma_start3A_101, %add3A_100, %dma_start3A_105] : memref<8x16384x128xf32, #tpu.memory_space<hbm>> -> memref<1x256x128xf32, #tpu.memory_space<hbm>>
    %dma_start3A_107 = tpu.memref_squeeze %dma_start3A_106 : memref<1x256x128xf32, #tpu.memory_space<hbm>> -> memref<256x128xf32, #tpu.memory_space<hbm>>
    tpu.enqueue_dma source(%arg11 : memref<256x128xf32, #tpu.memory_space<vmem>>) target(%dma_start3A_107 : memref<256x128xf32, #tpu.memory_space<hbm>>) target_semaphore(%arg17 : memref<!tpu.dma_semaphore, #tpu.memory_space<semaphore_mem>>)
    %dma_wait3A_108 = arith.constant 1 : i32
    %dma_wait3A_109 = arith.constant 0 : i32
    %dma_wait3A_110 = tpu.memref_slice %arg8[%dma_wait3A_108, %add3A_100, %dma_wait3A_109] : memref<8x16384x128xf32, #tpu.memory_space<hbm>> -> memref<1x256x128xf32, #tpu.memory_space<hbm>>
    %dma_wait3A_111 = tpu.memref_squeeze %dma_wait3A_110 : memref<1x256x128xf32, #tpu.memory_space<hbm>> -> memref<256x128xf32, #tpu.memory_space<hbm>>
    %dma_wait3A_112 = arith.constant 0 : i32
    %dma_wait3A_113 = tpu.memref_slice %arg8[%dma_wait3A_108, %add3A_100, %dma_wait3A_112] : memref<8x16384x128xf32, #tpu.memory_space<hbm>> -> memref<1x256x128xf32, #tpu.memory_space<hbm>>
    %dma_wait3A_114 = tpu.memref_squeeze %dma_wait3A_113 : memref<1x256x128xf32, #tpu.memory_space<hbm>> -> memref<256x128xf32, #tpu.memory_space<hbm>>
    tpu.wait_dma2 semaphore(%arg17 : memref<!tpu.dma_semaphore, #tpu.memory_space<semaphore_mem>>) src(%arg11 : memref<256x128xf32, #tpu.memory_space<vmem>>) dst(%dma_wait3A_114 : memref<256x128xf32, #tpu.memory_space<hbm>>)
    %dma_start3A_115 = arith.constant 0 : i32
    %dma_start3A_116 = tpu.memref_slice %arg10[%dma_start3A_115] : memref<512xi32, #tpu.memory_space<vmem>> -> memref<256xi32, #tpu.memory_space<vmem>>
    %dma_start3A_117 = arith.constant 0 : i32
    %dma_start3A_118 = arith.constant 0 : i32
    %dma_start3A_119 = tpu.memref_slice %arg5[%dma_start3A_117, %dma_start3A_118] : memref<100000x128xf32, #tpu.memory_space<hbm>> -> memref<100000x128xf32, #tpu.memory_space<hbm>>
    tpu.enqueue_indirect_dma source(%dma_start3A_119 : memref<100000x128xf32, #tpu.memory_space<hbm>>) target(%arg11 : memref<256x128xf32, #tpu.memory_space<vmem>>) offsets(%dma_start3A_116 : memref<256xi32, #tpu.memory_space<vmem>>) semaphore(%arg14 : memref<!tpu.dma_semaphore, #tpu.memory_space<semaphore_mem>>)
    %dma_wait3A_120 = arith.constant 0 : i32
    %dma_wait3A_121 = tpu.memref_slice %arg9[%dma_wait3A_120] : memref<512xi32, #tpu.memory_space<vmem>> -> memref<256xi32, #tpu.memory_space<vmem>>
    %dma_wait3A_122 = arith.constant 0 : i32
    %dma_wait3A_123 = arith.constant 0 : i32
    %dma_wait3A_124 = tpu.memref_slice %arg5[%dma_wait3A_122, %dma_wait3A_123] : memref<100000x128xf32, #tpu.memory_space<hbm>> -> memref<100000x128xf32, #tpu.memory_space<hbm>>
    tpu.wait_indirect_dma semaphore(%arg15 : memref<!tpu.dma_semaphore, #tpu.memory_space<semaphore_mem>>) src(%dma_wait3A_124 : memref<100000x128xf32, #tpu.memory_space<hbm>>) dst(%arg12 : memref<256x128xf32, #tpu.memory_space<vmem>>)
    %add3A_125 = arith.constant 0 : i32
    %add3A_126 = arith.addi %mul3A_2, %add3A_125 : i32
    %dma_start3A_127 = arith.constant 2 : i32
    %dma_start3A_128 = arith.constant 0 : i32
    %dma_start3A_129 = tpu.memref_slice %arg8[%dma_start3A_127, %add3A_126, %dma_start3A_128] : memref<8x16384x128xf32, #tpu.memory_space<hbm>> -> memref<1x256x128xf32, #tpu.memory_space<hbm>>
    %dma_start3A_130 = tpu.memref_squeeze %dma_start3A_129 : memref<1x256x128xf32, #tpu.memory_space<hbm>> -> memref<256x128xf32, #tpu.memory_space<hbm>>
    %dma_start3A_131 = arith.constant 0 : i32
    %dma_start3A_132 = tpu.memref_slice %arg8[%dma_start3A_127, %add3A_126, %dma_start3A_131] : memref<8x16384x128xf32, #tpu.memory_space<hbm>> -> memref<1x256x128xf32, #tpu.memory_space<hbm>>
    %dma_start3A_133 = tpu.memref_squeeze %dma_start3A_132 : memref<1x256x128xf32, #tpu.memory_space<hbm>> -> memref<256x128xf32, #tpu.memory_space<hbm>>
    tpu.enqueue_dma source(%arg12 : memref<256x128xf32, #tpu.memory_space<vmem>>) target(%dma_start3A_133 : memref<256x128xf32, #tpu.memory_space<hbm>>) target_semaphore(%arg18 : memref<!tpu.dma_semaphore, #tpu.memory_space<semaphore_mem>>)
    %dma_wait3A_134 = arith.constant 2 : i32
    %dma_wait3A_135 = arith.constant 0 : i32
    %dma_wait3A_136 = tpu.memref_slice %arg8[%dma_wait3A_134, %add3A_126, %dma_wait3A_135] : memref<8x16384x128xf32, #tpu.memory_space<hbm>> -> memref<1x256x128xf32, #tpu.memory_space<hbm>>
    %dma_wait3A_137 = tpu.memref_squeeze %dma_wait3A_136 : memref<1x256x128xf32, #tpu.memory_space<hbm>> -> memref<256x128xf32, #tpu.memory_space<hbm>>
    %dma_wait3A_138 = arith.constant 0 : i32
    %dma_wait3A_139 = tpu.memref_slice %arg8[%dma_wait3A_134, %add3A_126, %dma_wait3A_138] : memref<8x16384x128xf32, #tpu.memory_space<hbm>> -> memref<1x256x128xf32, #tpu.memory_space<hbm>>
    %dma_wait3A_140 = tpu.memref_squeeze %dma_wait3A_139 : memref<1x256x128xf32, #tpu.memory_space<hbm>> -> memref<256x128xf32, #tpu.memory_space<hbm>>
    tpu.wait_dma2 semaphore(%arg18 : memref<!tpu.dma_semaphore, #tpu.memory_space<semaphore_mem>>) src(%arg12 : memref<256x128xf32, #tpu.memory_space<vmem>>) dst(%dma_wait3A_140 : memref<256x128xf32, #tpu.memory_space<hbm>>)
    %dma_start3A_141 = arith.constant 256 : i32
    %dma_start3A_142 = tpu.memref_slice %arg10[%dma_start3A_141] : memref<512xi32, #tpu.memory_space<vmem>> -> memref<256xi32, #tpu.memory_space<vmem>>
    %dma_start3A_143 = arith.constant 0 : i32
    %dma_start3A_144 = arith.constant 0 : i32
    %dma_start3A_145 = tpu.memref_slice %arg5[%dma_start3A_143, %dma_start3A_144] : memref<100000x128xf32, #tpu.memory_space<hbm>> -> memref<100000x128xf32, #tpu.memory_space<hbm>>
    tpu.enqueue_indirect_dma source(%dma_start3A_145 : memref<100000x128xf32, #tpu.memory_space<hbm>>) target(%arg12 : memref<256x128xf32, #tpu.memory_space<vmem>>) offsets(%dma_start3A_142 : memref<256xi32, #tpu.memory_space<vmem>>) semaphore(%arg15 : memref<!tpu.dma_semaphore, #tpu.memory_space<semaphore_mem>>)
    %dma_wait3A_146 = arith.constant 256 : i32
    %dma_wait3A_147 = tpu.memref_slice %arg9[%dma_wait3A_146] : memref<512xi32, #tpu.memory_space<vmem>> -> memref<256xi32, #tpu.memory_space<vmem>>
    %dma_wait3A_148 = arith.constant 0 : i32
    %dma_wait3A_149 = arith.constant 0 : i32
    %dma_wait3A_150 = tpu.memref_slice %arg5[%dma_wait3A_148, %dma_wait3A_149] : memref<100000x128xf32, #tpu.memory_space<hbm>> -> memref<100000x128xf32, #tpu.memory_space<hbm>>
    tpu.wait_indirect_dma semaphore(%arg16 : memref<!tpu.dma_semaphore, #tpu.memory_space<semaphore_mem>>) src(%dma_wait3A_150 : memref<100000x128xf32, #tpu.memory_space<hbm>>) dst(%arg13 : memref<256x128xf32, #tpu.memory_space<vmem>>)
    %add3A_151 = arith.constant 256 : i32
    %add3A_152 = arith.addi %mul3A_2, %add3A_151 : i32
    %dma_start3A_153 = arith.constant 2 : i32
    %dma_start3A_154 = arith.constant 0 : i32
    %dma_start3A_155 = tpu.memref_slice %arg8[%dma_start3A_153, %add3A_152, %dma_start3A_154] : memref<8x16384x128xf32, #tpu.memory_space<hbm>> -> memref<1x256x128xf32, #tpu.memory_space<hbm>>
    %dma_start3A_156 = tpu.memref_squeeze %dma_start3A_155 : memref<1x256x128xf32, #tpu.memory_space<hbm>> -> memref<256x128xf32, #tpu.memory_space<hbm>>
    %dma_start3A_157 = arith.constant 0 : i32
    %dma_start3A_158 = tpu.memref_slice %arg8[%dma_start3A_153, %add3A_152, %dma_start3A_157] : memref<8x16384x128xf32, #tpu.memory_space<hbm>> -> memref<1x256x128xf32, #tpu.memory_space<hbm>>
    %dma_start3A_159 = tpu.memref_squeeze %dma_start3A_158 : memref<1x256x128xf32, #tpu.memory_space<hbm>> -> memref<256x128xf32, #tpu.memory_space<hbm>>
    tpu.enqueue_dma source(%arg13 : memref<256x128xf32, #tpu.memory_space<vmem>>) target(%dma_start3A_159 : memref<256x128xf32, #tpu.memory_space<hbm>>) target_semaphore(%arg19 : memref<!tpu.dma_semaphore, #tpu.memory_space<semaphore_mem>>)
    %dma_wait3A_160 = arith.constant 2 : i32
    %dma_wait3A_161 = arith.constant 0 : i32
    %dma_wait3A_162 = tpu.memref_slice %arg8[%dma_wait3A_160, %add3A_152, %dma_wait3A_161] : memref<8x16384x128xf32, #tpu.memory_space<hbm>> -> memref<1x256x128xf32, #tpu.memory_space<hbm>>
    %dma_wait3A_163 = tpu.memref_squeeze %dma_wait3A_162 : memref<1x256x128xf32, #tpu.memory_space<hbm>> -> memref<256x128xf32, #tpu.memory_space<hbm>>
    %dma_wait3A_164 = arith.constant 0 : i32
    %dma_wait3A_165 = tpu.memref_slice %arg8[%dma_wait3A_160, %add3A_152, %dma_wait3A_164] : memref<8x16384x128xf32, #tpu.memory_space<hbm>> -> memref<1x256x128xf32, #tpu.memory_space<hbm>>
    %dma_wait3A_166 = tpu.memref_squeeze %dma_wait3A_165 : memref<1x256x128xf32, #tpu.memory_space<hbm>> -> memref<256x128xf32, #tpu.memory_space<hbm>>
    tpu.wait_dma2 semaphore(%arg19 : memref<!tpu.dma_semaphore, #tpu.memory_space<semaphore_mem>>) src(%arg13 : memref<256x128xf32, #tpu.memory_space<vmem>>) dst(%dma_wait3A_166 : memref<256x128xf32, #tpu.memory_space<hbm>>)
    %dma_start3A_167 = arith.constant 0 : i32
    %dma_start3A_168 = tpu.memref_slice %arg9[%dma_start3A_167] : memref<512xi32, #tpu.memory_space<vmem>> -> memref<256xi32, #tpu.memory_space<vmem>>
    %dma_start3A_169 = arith.constant 0 : i32
    %dma_start3A_170 = arith.constant 0 : i32
    %dma_start3A_171 = tpu.memref_slice %arg6[%dma_start3A_169, %dma_start3A_170] : memref<100000x128xf32, #tpu.memory_space<hbm>> -> memref<100000x128xf32, #tpu.memory_space<hbm>>
    tpu.enqueue_indirect_dma source(%dma_start3A_171 : memref<100000x128xf32, #tpu.memory_space<hbm>>) target(%arg13 : memref<256x128xf32, #tpu.memory_space<vmem>>) offsets(%dma_start3A_168 : memref<256xi32, #tpu.memory_space<vmem>>) semaphore(%arg16 : memref<!tpu.dma_semaphore, #tpu.memory_space<semaphore_mem>>)
    %dma_wait3A_172 = arith.constant 0 : i32
    %dma_wait3A_173 = tpu.memref_slice %arg10[%dma_wait3A_172] : memref<512xi32, #tpu.memory_space<vmem>> -> memref<256xi32, #tpu.memory_space<vmem>>
    %dma_wait3A_174 = arith.constant 0 : i32
    %dma_wait3A_175 = arith.constant 0 : i32
    %dma_wait3A_176 = tpu.memref_slice %arg5[%dma_wait3A_174, %dma_wait3A_175] : memref<100000x128xf32, #tpu.memory_space<hbm>> -> memref<100000x128xf32, #tpu.memory_space<hbm>>
    tpu.wait_indirect_dma semaphore(%arg14 : memref<!tpu.dma_semaphore, #tpu.memory_space<semaphore_mem>>) src(%dma_wait3A_176 : memref<100000x128xf32, #tpu.memory_space<hbm>>) dst(%arg11 : memref<256x128xf32, #tpu.memory_space<vmem>>)
    %add3A_177 = arith.constant 0 : i32
    %add3A_178 = arith.addi %mul3A_2, %add3A_177 : i32
    %dma_start3A_179 = arith.constant 3 : i32
    %dma_start3A_180 = arith.constant 0 : i32
    %dma_start3A_181 = tpu.memref_slice %arg8[%dma_start3A_179, %add3A_178, %dma_start3A_180] : memref<8x16384x128xf32, #tpu.memory_space<hbm>> -> memref<1x256x128xf32, #tpu.memory_space<hbm>>
    %dma_start3A_182 = tpu.memref_squeeze %dma_start3A_181 : memref<1x256x128xf32, #tpu.memory_space<hbm>> -> memref<256x128xf32, #tpu.memory_space<hbm>>
    %dma_start3A_183 = arith.constant 0 : i32
    %dma_start3A_184 = tpu.memref_slice %arg8[%dma_start3A_179, %add3A_178, %dma_start3A_183] : memref<8x16384x128xf32, #tpu.memory_space<hbm>> -> memref<1x256x128xf32, #tpu.memory_space<hbm>>
    %dma_start3A_185 = tpu.memref_squeeze %dma_start3A_184 : memref<1x256x128xf32, #tpu.memory_space<hbm>> -> memref<256x128xf32, #tpu.memory_space<hbm>>
    tpu.enqueue_dma source(%arg11 : memref<256x128xf32, #tpu.memory_space<vmem>>) target(%dma_start3A_185 : memref<256x128xf32, #tpu.memory_space<hbm>>) target_semaphore(%arg17 : memref<!tpu.dma_semaphore, #tpu.memory_space<semaphore_mem>>)
    %dma_wait3A_186 = arith.constant 3 : i32
    %dma_wait3A_187 = arith.constant 0 : i32
    %dma_wait3A_188 = tpu.memref_slice %arg8[%dma_wait3A_186, %add3A_178, %dma_wait3A_187] : memref<8x16384x128xf32, #tpu.memory_space<hbm>> -> memref<1x256x128xf32, #tpu.memory_space<hbm>>
    %dma_wait3A_189 = tpu.memref_squeeze %dma_wait3A_188 : memref<1x256x128xf32, #tpu.memory_space<hbm>> -> memref<256x128xf32, #tpu.memory_space<hbm>>
    %dma_wait3A_190 = arith.constant 0 : i32
    %dma_wait3A_191 = tpu.memref_slice %arg8[%dma_wait3A_186, %add3A_178, %dma_wait3A_190] : memref<8x16384x128xf32, #tpu.memory_space<hbm>> -> memref<1x256x128xf32, #tpu.memory_space<hbm>>
    %dma_wait3A_192 = tpu.memref_squeeze %dma_wait3A_191 : memref<1x256x128xf32, #tpu.memory_space<hbm>> -> memref<256x128xf32, #tpu.memory_space<hbm>>
    tpu.wait_dma2 semaphore(%arg17 : memref<!tpu.dma_semaphore, #tpu.memory_space<semaphore_mem>>) src(%arg11 : memref<256x128xf32, #tpu.memory_space<vmem>>) dst(%dma_wait3A_192 : memref<256x128xf32, #tpu.memory_space<hbm>>)
    %dma_start3A_193 = arith.constant 256 : i32
    %dma_start3A_194 = tpu.memref_slice %arg9[%dma_start3A_193] : memref<512xi32, #tpu.memory_space<vmem>> -> memref<256xi32, #tpu.memory_space<vmem>>
    %dma_start3A_195 = arith.constant 0 : i32
    %dma_start3A_196 = arith.constant 0 : i32
    %dma_start3A_197 = tpu.memref_slice %arg6[%dma_start3A_195, %dma_start3A_196] : memref<100000x128xf32, #tpu.memory_space<hbm>> -> memref<100000x128xf32, #tpu.memory_space<hbm>>
    tpu.enqueue_indirect_dma source(%dma_start3A_197 : memref<100000x128xf32, #tpu.memory_space<hbm>>) target(%arg11 : memref<256x128xf32, #tpu.memory_space<vmem>>) offsets(%dma_start3A_194 : memref<256xi32, #tpu.memory_space<vmem>>) semaphore(%arg14 : memref<!tpu.dma_semaphore, #tpu.memory_space<semaphore_mem>>)
    %dma_wait3A_198 = arith.constant 256 : i32
    %dma_wait3A_199 = tpu.memref_slice %arg10[%dma_wait3A_198] : memref<512xi32, #tpu.memory_space<vmem>> -> memref<256xi32, #tpu.memory_space<vmem>>
    %dma_wait3A_200 = arith.constant 0 : i32
    %dma_wait3A_201 = arith.constant 0 : i32
    %dma_wait3A_202 = tpu.memref_slice %arg5[%dma_wait3A_200, %dma_wait3A_201] : memref<100000x128xf32, #tpu.memory_space<hbm>> -> memref<100000x128xf32, #tpu.memory_space<hbm>>
    tpu.wait_indirect_dma semaphore(%arg15 : memref<!tpu.dma_semaphore, #tpu.memory_space<semaphore_mem>>) src(%dma_wait3A_202 : memref<100000x128xf32, #tpu.memory_space<hbm>>) dst(%arg12 : memref<256x128xf32, #tpu.memory_space<vmem>>)
    %add3A_203 = arith.constant 256 : i32
    %add3A_204 = arith.addi %mul3A_2, %add3A_203 : i32
    %dma_start3A_205 = arith.constant 3 : i32
    %dma_start3A_206 = arith.constant 0 : i32
    %dma_start3A_207 = tpu.memref_slice %arg8[%dma_start3A_205, %add3A_204, %dma_start3A_206] : memref<8x16384x128xf32, #tpu.memory_space<hbm>> -> memref<1x256x128xf32, #tpu.memory_space<hbm>>
    %dma_start3A_208 = tpu.memref_squeeze %dma_start3A_207 : memref<1x256x128xf32, #tpu.memory_space<hbm>> -> memref<256x128xf32, #tpu.memory_space<hbm>>
    %dma_start3A_209 = arith.constant 0 : i32
    %dma_start3A_210 = tpu.memref_slice %arg8[%dma_start3A_205, %add3A_204, %dma_start3A_209] : memref<8x16384x128xf32, #tpu.memory_space<hbm>> -> memref<1x256x128xf32, #tpu.memory_space<hbm>>
    %dma_start3A_211 = tpu.memref_squeeze %dma_start3A_210 : memref<1x256x128xf32, #tpu.memory_space<hbm>> -> memref<256x128xf32, #tpu.memory_space<hbm>>
    tpu.enqueue_dma source(%arg12 : memref<256x128xf32, #tpu.memory_space<vmem>>) target(%dma_start3A_211 : memref<256x128xf32, #tpu.memory_space<hbm>>) target_semaphore(%arg18 : memref<!tpu.dma_semaphore, #tpu.memory_space<semaphore_mem>>)
    %dma_wait3A_212 = arith.constant 3 : i32
    %dma_wait3A_213 = arith.constant 0 : i32
    %dma_wait3A_214 = tpu.memref_slice %arg8[%dma_wait3A_212, %add3A_204, %dma_wait3A_213] : memref<8x16384x128xf32, #tpu.memory_space<hbm>> -> memref<1x256x128xf32, #tpu.memory_space<hbm>>
    %dma_wait3A_215 = tpu.memref_squeeze %dma_wait3A_214 : memref<1x256x128xf32, #tpu.memory_space<hbm>> -> memref<256x128xf32, #tpu.memory_space<hbm>>
    %dma_wait3A_216 = arith.constant 0 : i32
    %dma_wait3A_217 = tpu.memref_slice %arg8[%dma_wait3A_212, %add3A_204, %dma_wait3A_216] : memref<8x16384x128xf32, #tpu.memory_space<hbm>> -> memref<1x256x128xf32, #tpu.memory_space<hbm>>
    %dma_wait3A_218 = tpu.memref_squeeze %dma_wait3A_217 : memref<1x256x128xf32, #tpu.memory_space<hbm>> -> memref<256x128xf32, #tpu.memory_space<hbm>>
    tpu.wait_dma2 semaphore(%arg18 : memref<!tpu.dma_semaphore, #tpu.memory_space<semaphore_mem>>) src(%arg12 : memref<256x128xf32, #tpu.memory_space<vmem>>) dst(%dma_wait3A_218 : memref<256x128xf32, #tpu.memory_space<hbm>>)
    %dma_start3A_219 = arith.constant 0 : i32
    %dma_start3A_220 = tpu.memref_slice %arg10[%dma_start3A_219] : memref<512xi32, #tpu.memory_space<vmem>> -> memref<256xi32, #tpu.memory_space<vmem>>
    %dma_start3A_221 = arith.constant 0 : i32
    %dma_start3A_222 = arith.constant 0 : i32
    %dma_start3A_223 = tpu.memref_slice %arg6[%dma_start3A_221, %dma_start3A_222] : memref<100000x128xf32, #tpu.memory_space<hbm>> -> memref<100000x128xf32, #tpu.memory_space<hbm>>
    tpu.enqueue_indirect_dma source(%dma_start3A_223 : memref<100000x128xf32, #tpu.memory_space<hbm>>) target(%arg12 : memref<256x128xf32, #tpu.memory_space<vmem>>) offsets(%dma_start3A_220 : memref<256xi32, #tpu.memory_space<vmem>>) semaphore(%arg15 : memref<!tpu.dma_semaphore, #tpu.memory_space<semaphore_mem>>)
    %dma_wait3A_224 = arith.constant 0 : i32
    %dma_wait3A_225 = tpu.memref_slice %arg9[%dma_wait3A_224] : memref<512xi32, #tpu.memory_space<vmem>> -> memref<256xi32, #tpu.memory_space<vmem>>
    %dma_wait3A_226 = arith.constant 0 : i32
    %dma_wait3A_227 = arith.constant 0 : i32
    %dma_wait3A_228 = tpu.memref_slice %arg6[%dma_wait3A_226, %dma_wait3A_227] : memref<100000x128xf32, #tpu.memory_space<hbm>> -> memref<100000x128xf32, #tpu.memory_space<hbm>>
    tpu.wait_indirect_dma semaphore(%arg16 : memref<!tpu.dma_semaphore, #tpu.memory_space<semaphore_mem>>) src(%dma_wait3A_228 : memref<100000x128xf32, #tpu.memory_space<hbm>>) dst(%arg13 : memref<256x128xf32, #tpu.memory_space<vmem>>)
    %add3A_229 = arith.constant 0 : i32
    %add3A_230 = arith.addi %mul3A_2, %add3A_229 : i32
    %dma_start3A_231 = arith.constant 4 : i32
    %dma_start3A_232 = arith.constant 0 : i32
    %dma_start3A_233 = tpu.memref_slice %arg8[%dma_start3A_231, %add3A_230, %dma_start3A_232] : memref<8x16384x128xf32, #tpu.memory_space<hbm>> -> memref<1x256x128xf32, #tpu.memory_space<hbm>>
    %dma_start3A_234 = tpu.memref_squeeze %dma_start3A_233 : memref<1x256x128xf32, #tpu.memory_space<hbm>> -> memref<256x128xf32, #tpu.memory_space<hbm>>
    %dma_start3A_235 = arith.constant 0 : i32
    %dma_start3A_236 = tpu.memref_slice %arg8[%dma_start3A_231, %add3A_230, %dma_start3A_235] : memref<8x16384x128xf32, #tpu.memory_space<hbm>> -> memref<1x256x128xf32, #tpu.memory_space<hbm>>
    %dma_start3A_237 = tpu.memref_squeeze %dma_start3A_236 : memref<1x256x128xf32, #tpu.memory_space<hbm>> -> memref<256x128xf32, #tpu.memory_space<hbm>>
    tpu.enqueue_dma source(%arg13 : memref<256x128xf32, #tpu.memory_space<vmem>>) target(%dma_start3A_237 : memref<256x128xf32, #tpu.memory_space<hbm>>) target_semaphore(%arg19 : memref<!tpu.dma_semaphore, #tpu.memory_space<semaphore_mem>>)
    %dma_wait3A_238 = arith.constant 4 : i32
    %dma_wait3A_239 = arith.constant 0 : i32
    %dma_wait3A_240 = tpu.memref_slice %arg8[%dma_wait3A_238, %add3A_230, %dma_wait3A_239] : memref<8x16384x128xf32, #tpu.memory_space<hbm>> -> memref<1x256x128xf32, #tpu.memory_space<hbm>>
    %dma_wait3A_241 = tpu.memref_squeeze %dma_wait3A_240 : memref<1x256x128xf32, #tpu.memory_space<hbm>> -> memref<256x128xf32, #tpu.memory_space<hbm>>
    %dma_wait3A_242 = arith.constant 0 : i32
    %dma_wait3A_243 = tpu.memref_slice %arg8[%dma_wait3A_238, %add3A_230, %dma_wait3A_242] : memref<8x16384x128xf32, #tpu.memory_space<hbm>> -> memref<1x256x128xf32, #tpu.memory_space<hbm>>
    %dma_wait3A_244 = tpu.memref_squeeze %dma_wait3A_243 : memref<1x256x128xf32, #tpu.memory_space<hbm>> -> memref<256x128xf32, #tpu.memory_space<hbm>>
    tpu.wait_dma2 semaphore(%arg19 : memref<!tpu.dma_semaphore, #tpu.memory_space<semaphore_mem>>) src(%arg13 : memref<256x128xf32, #tpu.memory_space<vmem>>) dst(%dma_wait3A_244 : memref<256x128xf32, #tpu.memory_space<hbm>>)
    %dma_start3A_245 = arith.constant 256 : i32
    %dma_start3A_246 = tpu.memref_slice %arg10[%dma_start3A_245] : memref<512xi32, #tpu.memory_space<vmem>> -> memref<256xi32, #tpu.memory_space<vmem>>
    %dma_start3A_247 = arith.constant 0 : i32
    %dma_start3A_248 = arith.constant 0 : i32
    %dma_start3A_249 = tpu.memref_slice %arg6[%dma_start3A_247, %dma_start3A_248] : memref<100000x128xf32, #tpu.memory_space<hbm>> -> memref<100000x128xf32, #tpu.memory_space<hbm>>
    tpu.enqueue_indirect_dma source(%dma_start3A_249 : memref<100000x128xf32, #tpu.memory_space<hbm>>) target(%arg13 : memref<256x128xf32, #tpu.memory_space<vmem>>) offsets(%dma_start3A_246 : memref<256xi32, #tpu.memory_space<vmem>>) semaphore(%arg16 : memref<!tpu.dma_semaphore, #tpu.memory_space<semaphore_mem>>)
    %dma_wait3A_250 = arith.constant 256 : i32
    %dma_wait3A_251 = tpu.memref_slice %arg9[%dma_wait3A_250] : memref<512xi32, #tpu.memory_space<vmem>> -> memref<256xi32, #tpu.memory_space<vmem>>
    %dma_wait3A_252 = arith.constant 0 : i32
    %dma_wait3A_253 = arith.constant 0 : i32
    %dma_wait3A_254 = tpu.memref_slice %arg6[%dma_wait3A_252, %dma_wait3A_253] : memref<100000x128xf32, #tpu.memory_space<hbm>> -> memref<100000x128xf32, #tpu.memory_space<hbm>>
    tpu.wait_indirect_dma semaphore(%arg14 : memref<!tpu.dma_semaphore, #tpu.memory_space<semaphore_mem>>) src(%dma_wait3A_254 : memref<100000x128xf32, #tpu.memory_space<hbm>>) dst(%arg11 : memref<256x128xf32, #tpu.memory_space<vmem>>)
    %add3A_255 = arith.constant 256 : i32
    %add3A_256 = arith.addi %mul3A_2, %add3A_255 : i32
    %dma_start3A_257 = arith.constant 4 : i32
    %dma_start3A_258 = arith.constant 0 : i32
    %dma_start3A_259 = tpu.memref_slice %arg8[%dma_start3A_257, %add3A_256, %dma_start3A_258] : memref<8x16384x128xf32, #tpu.memory_space<hbm>> -> memref<1x256x128xf32, #tpu.memory_space<hbm>>
    %dma_start3A_260 = tpu.memref_squeeze %dma_start3A_259 : memref<1x256x128xf32, #tpu.memory_space<hbm>> -> memref<256x128xf32, #tpu.memory_space<hbm>>
    %dma_start3A_261 = arith.constant 0 : i32
    %dma_start3A_262 = tpu.memref_slice %arg8[%dma_start3A_257, %add3A_256, %dma_start3A_261] : memref<8x16384x128xf32, #tpu.memory_space<hbm>> -> memref<1x256x128xf32, #tpu.memory_space<hbm>>
    %dma_start3A_263 = tpu.memref_squeeze %dma_start3A_262 : memref<1x256x128xf32, #tpu.memory_space<hbm>> -> memref<256x128xf32, #tpu.memory_space<hbm>>
    tpu.enqueue_dma source(%arg11 : memref<256x128xf32, #tpu.memory_space<vmem>>) target(%dma_start3A_263 : memref<256x128xf32, #tpu.memory_space<hbm>>) target_semaphore(%arg17 : memref<!tpu.dma_semaphore, #tpu.memory_space<semaphore_mem>>)
    %dma_wait3A_264 = arith.constant 4 : i32
    %dma_wait3A_265 = arith.constant 0 : i32
    %dma_wait3A_266 = tpu.memref_slice %arg8[%dma_wait3A_264, %add3A_256, %dma_wait3A_265] : memref<8x16384x128xf32, #tpu.memory_space<hbm>> -> memref<1x256x128xf32, #tpu.memory_space<hbm>>
    %dma_wait3A_267 = tpu.memref_squeeze %dma_wait3A_266 : memref<1x256x128xf32, #tpu.memory_space<hbm>> -> memref<256x128xf32, #tpu.memory_space<hbm>>
    %dma_wait3A_268 = arith.constant 0 : i32
    %dma_wait3A_269 = tpu.memref_slice %arg8[%dma_wait3A_264, %add3A_256, %dma_wait3A_268] : memref<8x16384x128xf32, #tpu.memory_space<hbm>> -> memref<1x256x128xf32, #tpu.memory_space<hbm>>
    %dma_wait3A_270 = tpu.memref_squeeze %dma_wait3A_269 : memref<1x256x128xf32, #tpu.memory_space<hbm>> -> memref<256x128xf32, #tpu.memory_space<hbm>>
    tpu.wait_dma2 semaphore(%arg17 : memref<!tpu.dma_semaphore, #tpu.memory_space<semaphore_mem>>) src(%arg11 : memref<256x128xf32, #tpu.memory_space<vmem>>) dst(%dma_wait3A_270 : memref<256x128xf32, #tpu.memory_space<hbm>>)
    %dma_start3A_271 = arith.constant 0 : i32
    %dma_start3A_272 = tpu.memref_slice %arg9[%dma_start3A_271] : memref<512xi32, #tpu.memory_space<vmem>> -> memref<256xi32, #tpu.memory_space<vmem>>
    %dma_start3A_273 = arith.constant 0 : i32
    %dma_start3A_274 = arith.constant 0 : i32
    %dma_start3A_275 = tpu.memref_slice %arg7[%dma_start3A_273, %dma_start3A_274] : memref<100000x128xf32, #tpu.memory_space<hbm>> -> memref<100000x128xf32, #tpu.memory_space<hbm>>
    tpu.enqueue_indirect_dma source(%dma_start3A_275 : memref<100000x128xf32, #tpu.memory_space<hbm>>) target(%arg11 : memref<256x128xf32, #tpu.memory_space<vmem>>) offsets(%dma_start3A_272 : memref<256xi32, #tpu.memory_space<vmem>>) semaphore(%arg14 : memref<!tpu.dma_semaphore, #tpu.memory_space<semaphore_mem>>)
    %dma_wait3A_276 = arith.constant 0 : i32
    %dma_wait3A_277 = tpu.memref_slice %arg10[%dma_wait3A_276] : memref<512xi32, #tpu.memory_space<vmem>> -> memref<256xi32, #tpu.memory_space<vmem>>
    %dma_wait3A_278 = arith.constant 0 : i32
    %dma_wait3A_279 = arith.constant 0 : i32
    %dma_wait3A_280 = tpu.memref_slice %arg6[%dma_wait3A_278, %dma_wait3A_279] : memref<100000x128xf32, #tpu.memory_space<hbm>> -> memref<100000x128xf32, #tpu.memory_space<hbm>>
    tpu.wait_indirect_dma semaphore(%arg15 : memref<!tpu.dma_semaphore, #tpu.memory_space<semaphore_mem>>) src(%dma_wait3A_280 : memref<100000x128xf32, #tpu.memory_space<hbm>>) dst(%arg12 : memref<256x128xf32, #tpu.memory_space<vmem>>)
    %add3A_281 = arith.constant 0 : i32
    %add3A_282 = arith.addi %mul3A_2, %add3A_281 : i32
    %dma_start3A_283 = arith.constant 5 : i32
    %dma_start3A_284 = arith.constant 0 : i32
    %dma_start3A_285 = tpu.memref_slice %arg8[%dma_start3A_283, %add3A_282, %dma_start3A_284] : memref<8x16384x128xf32, #tpu.memory_space<hbm>> -> memref<1x256x128xf32, #tpu.memory_space<hbm>>
    %dma_start3A_286 = tpu.memref_squeeze %dma_start3A_285 : memref<1x256x128xf32, #tpu.memory_space<hbm>> -> memref<256x128xf32, #tpu.memory_space<hbm>>
    %dma_start3A_287 = arith.constant 0 : i32
    %dma_start3A_288 = tpu.memref_slice %arg8[%dma_start3A_283, %add3A_282, %dma_start3A_287] : memref<8x16384x128xf32, #tpu.memory_space<hbm>> -> memref<1x256x128xf32, #tpu.memory_space<hbm>>
    %dma_start3A_289 = tpu.memref_squeeze %dma_start3A_288 : memref<1x256x128xf32, #tpu.memory_space<hbm>> -> memref<256x128xf32, #tpu.memory_space<hbm>>
    tpu.enqueue_dma source(%arg12 : memref<256x128xf32, #tpu.memory_space<vmem>>) target(%dma_start3A_289 : memref<256x128xf32, #tpu.memory_space<hbm>>) target_semaphore(%arg18 : memref<!tpu.dma_semaphore, #tpu.memory_space<semaphore_mem>>)
    %dma_wait3A_290 = arith.constant 5 : i32
    %dma_wait3A_291 = arith.constant 0 : i32
    %dma_wait3A_292 = tpu.memref_slice %arg8[%dma_wait3A_290, %add3A_282, %dma_wait3A_291] : memref<8x16384x128xf32, #tpu.memory_space<hbm>> -> memref<1x256x128xf32, #tpu.memory_space<hbm>>
    %dma_wait3A_293 = tpu.memref_squeeze %dma_wait3A_292 : memref<1x256x128xf32, #tpu.memory_space<hbm>> -> memref<256x128xf32, #tpu.memory_space<hbm>>
    %dma_wait3A_294 = arith.constant 0 : i32
    %dma_wait3A_295 = tpu.memref_slice %arg8[%dma_wait3A_290, %add3A_282, %dma_wait3A_294] : memref<8x16384x128xf32, #tpu.memory_space<hbm>> -> memref<1x256x128xf32, #tpu.memory_space<hbm>>
    %dma_wait3A_296 = tpu.memref_squeeze %dma_wait3A_295 : memref<1x256x128xf32, #tpu.memory_space<hbm>> -> memref<256x128xf32, #tpu.memory_space<hbm>>
    tpu.wait_dma2 semaphore(%arg18 : memref<!tpu.dma_semaphore, #tpu.memory_space<semaphore_mem>>) src(%arg12 : memref<256x128xf32, #tpu.memory_space<vmem>>) dst(%dma_wait3A_296 : memref<256x128xf32, #tpu.memory_space<hbm>>)
    %dma_start3A_297 = arith.constant 256 : i32
    %dma_start3A_298 = tpu.memref_slice %arg9[%dma_start3A_297] : memref<512xi32, #tpu.memory_space<vmem>> -> memref<256xi32, #tpu.memory_space<vmem>>
    %dma_start3A_299 = arith.constant 0 : i32
    %dma_start3A_300 = arith.constant 0 : i32
    %dma_start3A_301 = tpu.memref_slice %arg7[%dma_start3A_299, %dma_start3A_300] : memref<100000x128xf32, #tpu.memory_space<hbm>> -> memref<100000x128xf32, #tpu.memory_space<hbm>>
    tpu.enqueue_indirect_dma source(%dma_start3A_301 : memref<100000x128xf32, #tpu.memory_space<hbm>>) target(%arg12 : memref<256x128xf32, #tpu.memory_space<vmem>>) offsets(%dma_start3A_298 : memref<256xi32, #tpu.memory_space<vmem>>) semaphore(%arg15 : memref<!tpu.dma_semaphore, #tpu.memory_space<semaphore_mem>>)
    %dma_wait3A_302 = arith.constant 256 : i32
    %dma_wait3A_303 = tpu.memref_slice %arg10[%dma_wait3A_302] : memref<512xi32, #tpu.memory_space<vmem>> -> memref<256xi32, #tpu.memory_space<vmem>>
    %dma_wait3A_304 = arith.constant 0 : i32
    %dma_wait3A_305 = arith.constant 0 : i32
    %dma_wait3A_306 = tpu.memref_slice %arg6[%dma_wait3A_304, %dma_wait3A_305] : memref<100000x128xf32, #tpu.memory_space<hbm>> -> memref<100000x128xf32, #tpu.memory_space<hbm>>
    tpu.wait_indirect_dma semaphore(%arg16 : memref<!tpu.dma_semaphore, #tpu.memory_space<semaphore_mem>>) src(%dma_wait3A_306 : memref<100000x128xf32, #tpu.memory_space<hbm>>) dst(%arg13 : memref<256x128xf32, #tpu.memory_space<vmem>>)
    %add3A_307 = arith.constant 256 : i32
    %add3A_308 = arith.addi %mul3A_2, %add3A_307 : i32
    %dma_start3A_309 = arith.constant 5 : i32
    %dma_start3A_310 = arith.constant 0 : i32
    %dma_start3A_311 = tpu.memref_slice %arg8[%dma_start3A_309, %add3A_308, %dma_start3A_310] : memref<8x16384x128xf32, #tpu.memory_space<hbm>> -> memref<1x256x128xf32, #tpu.memory_space<hbm>>
    %dma_start3A_312 = tpu.memref_squeeze %dma_start3A_311 : memref<1x256x128xf32, #tpu.memory_space<hbm>> -> memref<256x128xf32, #tpu.memory_space<hbm>>
    %dma_start3A_313 = arith.constant 0 : i32
    %dma_start3A_314 = tpu.memref_slice %arg8[%dma_start3A_309, %add3A_308, %dma_start3A_313] : memref<8x16384x128xf32, #tpu.memory_space<hbm>> -> memref<1x256x128xf32, #tpu.memory_space<hbm>>
    %dma_start3A_315 = tpu.memref_squeeze %dma_start3A_314 : memref<1x256x128xf32, #tpu.memory_space<hbm>> -> memref<256x128xf32, #tpu.memory_space<hbm>>
    tpu.enqueue_dma source(%arg13 : memref<256x128xf32, #tpu.memory_space<vmem>>) target(%dma_start3A_315 : memref<256x128xf32, #tpu.memory_space<hbm>>) target_semaphore(%arg19 : memref<!tpu.dma_semaphore, #tpu.memory_space<semaphore_mem>>)
    %dma_wait3A_316 = arith.constant 5 : i32
    %dma_wait3A_317 = arith.constant 0 : i32
    %dma_wait3A_318 = tpu.memref_slice %arg8[%dma_wait3A_316, %add3A_308, %dma_wait3A_317] : memref<8x16384x128xf32, #tpu.memory_space<hbm>> -> memref<1x256x128xf32, #tpu.memory_space<hbm>>
    %dma_wait3A_319 = tpu.memref_squeeze %dma_wait3A_318 : memref<1x256x128xf32, #tpu.memory_space<hbm>> -> memref<256x128xf32, #tpu.memory_space<hbm>>
    %dma_wait3A_320 = arith.constant 0 : i32
    %dma_wait3A_321 = tpu.memref_slice %arg8[%dma_wait3A_316, %add3A_308, %dma_wait3A_320] : memref<8x16384x128xf32, #tpu.memory_space<hbm>> -> memref<1x256x128xf32, #tpu.memory_space<hbm>>
    %dma_wait3A_322 = tpu.memref_squeeze %dma_wait3A_321 : memref<1x256x128xf32, #tpu.memory_space<hbm>> -> memref<256x128xf32, #tpu.memory_space<hbm>>
    tpu.wait_dma2 semaphore(%arg19 : memref<!tpu.dma_semaphore, #tpu.memory_space<semaphore_mem>>) src(%arg13 : memref<256x128xf32, #tpu.memory_space<vmem>>) dst(%dma_wait3A_322 : memref<256x128xf32, #tpu.memory_space<hbm>>)
    %dma_start3A_323 = arith.constant 0 : i32
    %dma_start3A_324 = tpu.memref_slice %arg10[%dma_start3A_323] : memref<512xi32, #tpu.memory_space<vmem>> -> memref<256xi32, #tpu.memory_space<vmem>>
    %dma_start3A_325 = arith.constant 0 : i32
    %dma_start3A_326 = arith.constant 0 : i32
    %dma_start3A_327 = tpu.memref_slice %arg7[%dma_start3A_325, %dma_start3A_326] : memref<100000x128xf32, #tpu.memory_space<hbm>> -> memref<100000x128xf32, #tpu.memory_space<hbm>>
    tpu.enqueue_indirect_dma source(%dma_start3A_327 : memref<100000x128xf32, #tpu.memory_space<hbm>>) target(%arg13 : memref<256x128xf32, #tpu.memory_space<vmem>>) offsets(%dma_start3A_324 : memref<256xi32, #tpu.memory_space<vmem>>) semaphore(%arg16 : memref<!tpu.dma_semaphore, #tpu.memory_space<semaphore_mem>>)
    %dma_wait3A_328 = arith.constant 0 : i32
    %dma_wait3A_329 = tpu.memref_slice %arg9[%dma_wait3A_328] : memref<512xi32, #tpu.memory_space<vmem>> -> memref<256xi32, #tpu.memory_space<vmem>>
    %dma_wait3A_330 = arith.constant 0 : i32
    %dma_wait3A_331 = arith.constant 0 : i32
    %dma_wait3A_332 = tpu.memref_slice %arg7[%dma_wait3A_330, %dma_wait3A_331] : memref<100000x128xf32, #tpu.memory_space<hbm>> -> memref<100000x128xf32, #tpu.memory_space<hbm>>
    tpu.wait_indirect_dma semaphore(%arg14 : memref<!tpu.dma_semaphore, #tpu.memory_space<semaphore_mem>>) src(%dma_wait3A_332 : memref<100000x128xf32, #tpu.memory_space<hbm>>) dst(%arg11 : memref<256x128xf32, #tpu.memory_space<vmem>>)
    %add3A_333 = arith.constant 0 : i32
    %add3A_334 = arith.addi %mul3A_2, %add3A_333 : i32
    %dma_start3A_335 = arith.constant 6 : i32
    %dma_start3A_336 = arith.constant 0 : i32
    %dma_start3A_337 = tpu.memref_slice %arg8[%dma_start3A_335, %add3A_334, %dma_start3A_336] : memref<8x16384x128xf32, #tpu.memory_space<hbm>> -> memref<1x256x128xf32, #tpu.memory_space<hbm>>
    %dma_start3A_338 = tpu.memref_squeeze %dma_start3A_337 : memref<1x256x128xf32, #tpu.memory_space<hbm>> -> memref<256x128xf32, #tpu.memory_space<hbm>>
    %dma_start3A_339 = arith.constant 0 : i32
    %dma_start3A_340 = tpu.memref_slice %arg8[%dma_start3A_335, %add3A_334, %dma_start3A_339] : memref<8x16384x128xf32, #tpu.memory_space<hbm>> -> memref<1x256x128xf32, #tpu.memory_space<hbm>>
    %dma_start3A_341 = tpu.memref_squeeze %dma_start3A_340 : memref<1x256x128xf32, #tpu.memory_space<hbm>> -> memref<256x128xf32, #tpu.memory_space<hbm>>
    tpu.enqueue_dma source(%arg11 : memref<256x128xf32, #tpu.memory_space<vmem>>) target(%dma_start3A_341 : memref<256x128xf32, #tpu.memory_space<hbm>>) target_semaphore(%arg17 : memref<!tpu.dma_semaphore, #tpu.memory_space<semaphore_mem>>)
    %dma_wait3A_342 = arith.constant 6 : i32
    %dma_wait3A_343 = arith.constant 0 : i32
    %dma_wait3A_344 = tpu.memref_slice %arg8[%dma_wait3A_342, %add3A_334, %dma_wait3A_343] : memref<8x16384x128xf32, #tpu.memory_space<hbm>> -> memref<1x256x128xf32, #tpu.memory_space<hbm>>
    %dma_wait3A_345 = tpu.memref_squeeze %dma_wait3A_344 : memref<1x256x128xf32, #tpu.memory_space<hbm>> -> memref<256x128xf32, #tpu.memory_space<hbm>>
    %dma_wait3A_346 = arith.constant 0 : i32
    %dma_wait3A_347 = tpu.memref_slice %arg8[%dma_wait3A_342, %add3A_334, %dma_wait3A_346] : memref<8x16384x128xf32, #tpu.memory_space<hbm>> -> memref<1x256x128xf32, #tpu.memory_space<hbm>>
    %dma_wait3A_348 = tpu.memref_squeeze %dma_wait3A_347 : memref<1x256x128xf32, #tpu.memory_space<hbm>> -> memref<256x128xf32, #tpu.memory_space<hbm>>
    tpu.wait_dma2 semaphore(%arg17 : memref<!tpu.dma_semaphore, #tpu.memory_space<semaphore_mem>>) src(%arg11 : memref<256x128xf32, #tpu.memory_space<vmem>>) dst(%dma_wait3A_348 : memref<256x128xf32, #tpu.memory_space<hbm>>)
    %dma_start3A_349 = arith.constant 256 : i32
    %dma_start3A_350 = tpu.memref_slice %arg10[%dma_start3A_349] : memref<512xi32, #tpu.memory_space<vmem>> -> memref<256xi32, #tpu.memory_space<vmem>>
    %dma_start3A_351 = arith.constant 0 : i32
    %dma_start3A_352 = arith.constant 0 : i32
    %dma_start3A_353 = tpu.memref_slice %arg7[%dma_start3A_351, %dma_start3A_352] : memref<100000x128xf32, #tpu.memory_space<hbm>> -> memref<100000x128xf32, #tpu.memory_space<hbm>>
    tpu.enqueue_indirect_dma source(%dma_start3A_353 : memref<100000x128xf32, #tpu.memory_space<hbm>>) target(%arg11 : memref<256x128xf32, #tpu.memory_space<vmem>>) offsets(%dma_start3A_350 : memref<256xi32, #tpu.memory_space<vmem>>) semaphore(%arg14 : memref<!tpu.dma_semaphore, #tpu.memory_space<semaphore_mem>>)
    %dma_wait3A_354 = arith.constant 256 : i32
    %dma_wait3A_355 = tpu.memref_slice %arg9[%dma_wait3A_354] : memref<512xi32, #tpu.memory_space<vmem>> -> memref<256xi32, #tpu.memory_space<vmem>>
    %dma_wait3A_356 = arith.constant 0 : i32
    %dma_wait3A_357 = arith.constant 0 : i32
    %dma_wait3A_358 = tpu.memref_slice %arg7[%dma_wait3A_356, %dma_wait3A_357] : memref<100000x128xf32, #tpu.memory_space<hbm>> -> memref<100000x128xf32, #tpu.memory_space<hbm>>
    tpu.wait_indirect_dma semaphore(%arg15 : memref<!tpu.dma_semaphore, #tpu.memory_space<semaphore_mem>>) src(%dma_wait3A_358 : memref<100000x128xf32, #tpu.memory_space<hbm>>) dst(%arg12 : memref<256x128xf32, #tpu.memory_space<vmem>>)
    %add3A_359 = arith.constant 256 : i32
    %add3A_360 = arith.addi %mul3A_2, %add3A_359 : i32
    %dma_start3A_361 = arith.constant 6 : i32
    %dma_start3A_362 = arith.constant 0 : i32
    %dma_start3A_363 = tpu.memref_slice %arg8[%dma_start3A_361, %add3A_360, %dma_start3A_362] : memref<8x16384x128xf32, #tpu.memory_space<hbm>> -> memref<1x256x128xf32, #tpu.memory_space<hbm>>
    %dma_start3A_364 = tpu.memref_squeeze %dma_start3A_363 : memref<1x256x128xf32, #tpu.memory_space<hbm>> -> memref<256x128xf32, #tpu.memory_space<hbm>>
    %dma_start3A_365 = arith.constant 0 : i32
    %dma_start3A_366 = tpu.memref_slice %arg8[%dma_start3A_361, %add3A_360, %dma_start3A_365] : memref<8x16384x128xf32, #tpu.memory_space<hbm>> -> memref<1x256x128xf32, #tpu.memory_space<hbm>>
    %dma_start3A_367 = tpu.memref_squeeze %dma_start3A_366 : memref<1x256x128xf32, #tpu.memory_space<hbm>> -> memref<256x128xf32, #tpu.memory_space<hbm>>
    tpu.enqueue_dma source(%arg12 : memref<256x128xf32, #tpu.memory_space<vmem>>) target(%dma_start3A_367 : memref<256x128xf32, #tpu.memory_space<hbm>>) target_semaphore(%arg18 : memref<!tpu.dma_semaphore, #tpu.memory_space<semaphore_mem>>)
    %dma_wait3A_368 = arith.constant 0 : i32
    %dma_wait3A_369 = tpu.memref_slice %arg10[%dma_wait3A_368] : memref<512xi32, #tpu.memory_space<vmem>> -> memref<256xi32, #tpu.memory_space<vmem>>
    %dma_wait3A_370 = arith.constant 0 : i32
    %dma_wait3A_371 = arith.constant 0 : i32
    %dma_wait3A_372 = tpu.memref_slice %arg7[%dma_wait3A_370, %dma_wait3A_371] : memref<100000x128xf32, #tpu.memory_space<hbm>> -> memref<100000x128xf32, #tpu.memory_space<hbm>>
    tpu.wait_indirect_dma semaphore(%arg16 : memref<!tpu.dma_semaphore, #tpu.memory_space<semaphore_mem>>) src(%dma_wait3A_372 : memref<100000x128xf32, #tpu.memory_space<hbm>>) dst(%arg13 : memref<256x128xf32, #tpu.memory_space<vmem>>)
    %add3A_373 = arith.constant 0 : i32
    %add3A_374 = arith.addi %mul3A_2, %add3A_373 : i32
    %dma_start3A_375 = arith.constant 7 : i32
    %dma_start3A_376 = arith.constant 0 : i32
    %dma_start3A_377 = tpu.memref_slice %arg8[%dma_start3A_375, %add3A_374, %dma_start3A_376] : memref<8x16384x128xf32, #tpu.memory_space<hbm>> -> memref<1x256x128xf32, #tpu.memory_space<hbm>>
    %dma_start3A_378 = tpu.memref_squeeze %dma_start3A_377 : memref<1x256x128xf32, #tpu.memory_space<hbm>> -> memref<256x128xf32, #tpu.memory_space<hbm>>
    %dma_start3A_379 = arith.constant 0 : i32
    %dma_start3A_380 = tpu.memref_slice %arg8[%dma_start3A_375, %add3A_374, %dma_start3A_379] : memref<8x16384x128xf32, #tpu.memory_space<hbm>> -> memref<1x256x128xf32, #tpu.memory_space<hbm>>
    %dma_start3A_381 = tpu.memref_squeeze %dma_start3A_380 : memref<1x256x128xf32, #tpu.memory_space<hbm>> -> memref<256x128xf32, #tpu.memory_space<hbm>>
    tpu.enqueue_dma source(%arg13 : memref<256x128xf32, #tpu.memory_space<vmem>>) target(%dma_start3A_381 : memref<256x128xf32, #tpu.memory_space<hbm>>) target_semaphore(%arg19 : memref<!tpu.dma_semaphore, #tpu.memory_space<semaphore_mem>>)
    %dma_wait3A_382 = arith.constant 256 : i32
    %dma_wait3A_383 = tpu.memref_slice %arg10[%dma_wait3A_382] : memref<512xi32, #tpu.memory_space<vmem>> -> memref<256xi32, #tpu.memory_space<vmem>>
    %dma_wait3A_384 = arith.constant 0 : i32
    %dma_wait3A_385 = arith.constant 0 : i32
    %dma_wait3A_386 = tpu.memref_slice %arg7[%dma_wait3A_384, %dma_wait3A_385] : memref<100000x128xf32, #tpu.memory_space<hbm>> -> memref<100000x128xf32, #tpu.memory_space<hbm>>
    tpu.wait_indirect_dma semaphore(%arg14 : memref<!tpu.dma_semaphore, #tpu.memory_space<semaphore_mem>>) src(%dma_wait3A_386 : memref<100000x128xf32, #tpu.memory_space<hbm>>) dst(%arg11 : memref<256x128xf32, #tpu.memory_space<vmem>>)
    %add3A_387 = arith.constant 256 : i32
    %add3A_388 = arith.addi %mul3A_2, %add3A_387 : i32
    %dma_start3A_389 = arith.constant 7 : i32
    %dma_start3A_390 = arith.constant 0 : i32
    %dma_start3A_391 = tpu.memref_slice %arg8[%dma_start3A_389, %add3A_388, %dma_start3A_390] : memref<8x16384x128xf32, #tpu.memory_space<hbm>> -> memref<1x256x128xf32, #tpu.memory_space<hbm>>
    %dma_start3A_392 = tpu.memref_squeeze %dma_start3A_391 : memref<1x256x128xf32, #tpu.memory_space<hbm>> -> memref<256x128xf32, #tpu.memory_space<hbm>>
    %dma_start3A_393 = arith.constant 0 : i32
    %dma_start3A_394 = tpu.memref_slice %arg8[%dma_start3A_389, %add3A_388, %dma_start3A_393] : memref<8x16384x128xf32, #tpu.memory_space<hbm>> -> memref<1x256x128xf32, #tpu.memory_space<hbm>>
    %dma_start3A_395 = tpu.memref_squeeze %dma_start3A_394 : memref<1x256x128xf32, #tpu.memory_space<hbm>> -> memref<256x128xf32, #tpu.memory_space<hbm>>
    tpu.enqueue_dma source(%arg11 : memref<256x128xf32, #tpu.memory_space<vmem>>) target(%dma_start3A_395 : memref<256x128xf32, #tpu.memory_space<hbm>>) target_semaphore(%arg17 : memref<!tpu.dma_semaphore, #tpu.memory_space<semaphore_mem>>)
    %dma_wait3A_396 = arith.constant 6 : i32
    %dma_wait3A_397 = arith.constant 0 : i32
    %dma_wait3A_398 = tpu.memref_slice %arg8[%dma_wait3A_396, %add3A_360, %dma_wait3A_397] : memref<8x16384x128xf32, #tpu.memory_space<hbm>> -> memref<1x256x128xf32, #tpu.memory_space<hbm>>
    %dma_wait3A_399 = tpu.memref_squeeze %dma_wait3A_398 : memref<1x256x128xf32, #tpu.memory_space<hbm>> -> memref<256x128xf32, #tpu.memory_space<hbm>>
    %dma_wait3A_400 = arith.constant 0 : i32
    %dma_wait3A_401 = tpu.memref_slice %arg8[%dma_wait3A_396, %add3A_360, %dma_wait3A_400] : memref<8x16384x128xf32, #tpu.memory_space<hbm>> -> memref<1x256x128xf32, #tpu.memory_space<hbm>>
    %dma_wait3A_402 = tpu.memref_squeeze %dma_wait3A_401 : memref<1x256x128xf32, #tpu.memory_space<hbm>> -> memref<256x128xf32, #tpu.memory_space<hbm>>
    tpu.wait_dma2 semaphore(%arg18 : memref<!tpu.dma_semaphore, #tpu.memory_space<semaphore_mem>>) src(%arg12 : memref<256x128xf32, #tpu.memory_space<vmem>>) dst(%dma_wait3A_402 : memref<256x128xf32, #tpu.memory_space<hbm>>)
    %dma_wait3A_403 = arith.constant 7 : i32
    %dma_wait3A_404 = arith.constant 0 : i32
    %dma_wait3A_405 = tpu.memref_slice %arg8[%dma_wait3A_403, %add3A_374, %dma_wait3A_404] : memref<8x16384x128xf32, #tpu.memory_space<hbm>> -> memref<1x256x128xf32, #tpu.memory_space<hbm>>
    %dma_wait3A_406 = tpu.memref_squeeze %dma_wait3A_405 : memref<1x256x128xf32, #tpu.memory_space<hbm>> -> memref<256x128xf32, #tpu.memory_space<hbm>>
    %dma_wait3A_407 = arith.constant 0 : i32
    %dma_wait3A_408 = tpu.memref_slice %arg8[%dma_wait3A_403, %add3A_374, %dma_wait3A_407] : memref<8x16384x128xf32, #tpu.memory_space<hbm>> -> memref<1x256x128xf32, #tpu.memory_space<hbm>>
    %dma_wait3A_409 = tpu.memref_squeeze %dma_wait3A_408 : memref<1x256x128xf32, #tpu.memory_space<hbm>> -> memref<256x128xf32, #tpu.memory_space<hbm>>
    tpu.wait_dma2 semaphore(%arg19 : memref<!tpu.dma_semaphore, #tpu.memory_space<semaphore_mem>>) src(%arg13 : memref<256x128xf32, #tpu.memory_space<vmem>>) dst(%dma_wait3A_409 : memref<256x128xf32, #tpu.memory_space<hbm>>)
    %dma_wait3A_410 = arith.constant 7 : i32
    %dma_wait3A_411 = arith.constant 0 : i32
    %dma_wait3A_412 = tpu.memref_slice %arg8[%dma_wait3A_410, %add3A_388, %dma_wait3A_411] : memref<8x16384x128xf32, #tpu.memory_space<hbm>> -> memref<1x256x128xf32, #tpu.memory_space<hbm>>
    %dma_wait3A_413 = tpu.memref_squeeze %dma_wait3A_412 : memref<1x256x128xf32, #tpu.memory_space<hbm>> -> memref<256x128xf32, #tpu.memory_space<hbm>>
    %dma_wait3A_414 = arith.constant 0 : i32
    %dma_wait3A_415 = tpu.memref_slice %arg8[%dma_wait3A_410, %add3A_388, %dma_wait3A_414] : memref<8x16384x128xf32, #tpu.memory_space<hbm>> -> memref<1x256x128xf32, #tpu.memory_space<hbm>>
    %dma_wait3A_416 = tpu.memref_squeeze %dma_wait3A_415 : memref<1x256x128xf32, #tpu.memory_space<hbm>> -> memref<256x128xf32, #tpu.memory_space<hbm>>
    tpu.wait_dma2 semaphore(%arg17 : memref<!tpu.dma_semaphore, #tpu.memory_space<semaphore_mem>>) src(%arg11 : memref<256x128xf32, #tpu.memory_space<vmem>>) dst(%dma_wait3A_416 : memref<256x128xf32, #tpu.memory_space<hbm>>)
    return
  }
}

module attributes {stable_mosaic.version = 14 : i64} {
  func.func @_tc_mlp_body(%arg0: i32, %arg1: memref<1x1x2048xi32, #tpu.memory_space<vmem>>, %arg2: memref<8x2048x128xf32, #tpu.memory_space<vmem>>, %arg3: memref<64x128xf32, #tpu.memory_space<vmem>>, %arg4: memref<896x128xf32, #tpu.memory_space<vmem>>, %arg5: memref<1x128xf32, #tpu.memory_space<vmem>>, %arg6: memref<128x2xf32, #tpu.memory_space<vmem>>, %arg7: memref<2x1xf32, #tpu.memory_space<vmem>>, %arg8: memref<2x2048xf32, #tpu.memory_space<vmem>>) attributes {dimension_semantics = [#tpu.dimension_semantics<arbitrary>], iteration_bounds = array<i64: 8>, scalar_prefetch = 0 : i64, scratch_operands = 0 : i64, tpu.core_type = #tpu.core_type<tc>, window_params = [{transform_indices = @transform_0, window_bounds = array<i64: 1, 1, 2048>}, {transform_indices = @transform_1, window_bounds = array<i64: 8, 2048, 128>}, {pipeline_mode = #tpu.pipeline_mode<synchronous>, transform_indices = @transform_2, window_bounds = array<i64: 64, 128>}, {pipeline_mode = #tpu.pipeline_mode<synchronous>, transform_indices = @transform_3, window_bounds = array<i64: 896, 128>}, {pipeline_mode = #tpu.pipeline_mode<synchronous>, transform_indices = @transform_4, window_bounds = array<i64: 1, 128>}, {pipeline_mode = #tpu.pipeline_mode<synchronous>, transform_indices = @transform_5, window_bounds = array<i64: 128, 2>}, {pipeline_mode = #tpu.pipeline_mode<synchronous>, transform_indices = @transform_6, window_bounds = array<i64: 2, 1>}, {transform_indices = @transform_7, window_bounds = array<i64: 2, 2048>}]} {
    %get3A = arith.constant 0 : index
    %get3A_0 = arith.constant 0 : index
    %get3A_1 = arith.constant 0 : index
    %get3A_2 = vector.load %arg1[%get3A, %get3A_0, %get3A_1] : memref<1x1x2048xi32, #tpu.memory_space<vmem>>, vector<1x1x2048xi32>
    %get3A_3 = vector.shape_cast %get3A_2 : vector<1x1x2048xi32> to vector<1x2048xi32>
    %iota3A = tpu.iota {dimensions = array<i32: 0>} : vector<64x2048xi32>
    %eq3A = vector.broadcast %get3A_3 : vector<1x2048xi32> to vector<64x2048xi32>
    %eq3A_4 = arith.cmpi eq, %iota3A, %eq3A : vector<64x2048xi32>
    %convert_element_type3A = arith.extui %eq3A_4 : vector<64x2048xi1> to vector<64x2048xi32>
    %convert_element_type3A_5 = arith.sitofp %convert_element_type3A : vector<64x2048xi32> to vector<64x2048xf32>
    %get3A_6 = arith.constant 0 : index
    %get3A_7 = arith.constant 0 : index
    %get3A_8 = vector.load %arg3[%get3A_6, %get3A_7] : memref<64x128xf32, #tpu.memory_space<vmem>>, vector<64x128xf32>
    %dot_general3A = arith.constant dense<0.000000e+00> : vector<2048x128xf32>
    %dot_general3A_9 = tpu.matmul %convert_element_type3A_5, %get3A_8, %dot_general3A {dimension_numbers = #tpu.dot_dimension_numbers<[0], [0], [1], [1], [0, 1, 1, 1], [], []>, transpose_lhs_hint = false} : vector<64x2048xf32>, vector<64x128xf32>, vector<2048x128xf32> -> vector<2048x128xf32>
    %get3A_10 = arith.constant 4 : index
    %get3A_11 = arith.constant 0 : index
    %get3A_12 = arith.constant 0 : index
    %get3A_13 = vector.load %arg2[%get3A_10, %get3A_11, %get3A_12] : memref<8x2048x128xf32, #tpu.memory_space<vmem>>, vector<1x2048x128xf32>
    %get3A_14 = vector.shape_cast %get3A_13 : vector<1x2048x128xf32> to vector<2048x128xf32>
    %add3A = arith.addf %get3A_14, %dot_general3A_9 : vector<2048x128xf32>
    %get3A_15 = arith.constant 5 : index
    %get3A_16 = arith.constant 0 : index
    %get3A_17 = arith.constant 0 : index
    %get3A_18 = vector.load %arg2[%get3A_15, %get3A_16, %get3A_17] : memref<8x2048x128xf32, #tpu.memory_space<vmem>>, vector<1x2048x128xf32>
    %get3A_19 = vector.shape_cast %get3A_18 : vector<1x2048x128xf32> to vector<2048x128xf32>
    %sub3A = arith.subf %add3A, %get3A_19 : vector<2048x128xf32>
    %logistic3A = arith.negf %sub3A : vector<2048x128xf32>
    %logistic3A_20 = math.exp %logistic3A : vector<2048x128xf32>
    %logistic3A_21 = arith.constant 1.000000e+00 : f32
    %logistic3A_22 = vector.broadcast %logistic3A_21 : f32 to vector<2048x128xf32>
    %logistic3A_23 = arith.addf %logistic3A_22, %logistic3A_20 : vector<2048x128xf32>
    %logistic3A_24 = arith.divf %logistic3A_22, %logistic3A_23 : vector<2048x128xf32>
    %get3A_25 = arith.constant 512 : index
    %get3A_26 = arith.constant 0 : index
    %get3A_27 = vector.load %arg4[%get3A_25, %get3A_26] : memref<896x128xf32, #tpu.memory_space<vmem>>, vector<128x128xf32>
    %dot_general3A_28 = arith.constant dense<0.000000e+00> : vector<2048x128xf32>
    %dot_general3A_29 = tpu.matmul %logistic3A_24, %get3A_27, %dot_general3A_28 {dimension_numbers = #tpu.dot_dimension_numbers<[1], [0], [0], [1], [0, 0, 1, 1], [], []>, transpose_lhs_hint = false} : vector<2048x128xf32>, vector<128x128xf32>, vector<2048x128xf32> -> vector<2048x128xf32>
    %get3A_30 = arith.constant 0 : index
    %get3A_31 = arith.constant 0 : index
    %get3A_32 = vector.load %arg5[%get3A_30, %get3A_31] : memref<1x128xf32, #tpu.memory_space<vmem>>, vector<1x128xf32>
    %add3A_33 = vector.broadcast %get3A_32 : vector<1x128xf32> to vector<2048x128xf32>
    %add3A_34 = arith.addf %dot_general3A_29, %add3A_33 : vector<2048x128xf32>
    %get3A_35 = arith.constant 0 : index
    %get3A_36 = arith.constant 0 : index
    %get3A_37 = arith.constant 0 : index
    %get3A_38 = vector.load %arg2[%get3A_35, %get3A_36, %get3A_37] : memref<8x2048x128xf32, #tpu.memory_space<vmem>>, vector<1x2048x128xf32>
    %get3A_39 = vector.shape_cast %get3A_38 : vector<1x2048x128xf32> to vector<2048x128xf32>
    %get3A_40 = arith.constant 0 : index
    %get3A_41 = arith.constant 0 : index
    %get3A_42 = vector.load %arg4[%get3A_40, %get3A_41] : memref<896x128xf32, #tpu.memory_space<vmem>>, vector<128x128xf32>
    %dot_general3A_43 = arith.constant dense<0.000000e+00> : vector<2048x128xf32>
    %dot_general3A_44 = tpu.matmul %get3A_39, %get3A_42, %dot_general3A_43 {dimension_numbers = #tpu.dot_dimension_numbers<[1], [0], [0], [1], [0, 0, 1, 1], [], []>, transpose_lhs_hint = false} : vector<2048x128xf32>, vector<128x128xf32>, vector<2048x128xf32> -> vector<2048x128xf32>
    %add3A_45 = arith.addf %add3A_34, %dot_general3A_44 : vector<2048x128xf32>
    %get3A_46 = arith.constant 1 : index
    %get3A_47 = arith.constant 0 : index
    %get3A_48 = arith.constant 0 : index
    %get3A_49 = vector.load %arg2[%get3A_46, %get3A_47, %get3A_48] : memref<8x2048x128xf32, #tpu.memory_space<vmem>>, vector<1x2048x128xf32>
    %get3A_50 = vector.shape_cast %get3A_49 : vector<1x2048x128xf32> to vector<2048x128xf32>
    %get3A_51 = arith.constant 128 : index
    %get3A_52 = arith.constant 0 : index
    %get3A_53 = vector.load %arg4[%get3A_51, %get3A_52] : memref<896x128xf32, #tpu.memory_space<vmem>>, vector<128x128xf32>
    %dot_general3A_54 = arith.constant dense<0.000000e+00> : vector<2048x128xf32>
    %dot_general3A_55 = tpu.matmul %get3A_50, %get3A_53, %dot_general3A_54 {dimension_numbers = #tpu.dot_dimension_numbers<[1], [0], [0], [1], [0, 0, 1, 1], [], []>, transpose_lhs_hint = false} : vector<2048x128xf32>, vector<128x128xf32>, vector<2048x128xf32> -> vector<2048x128xf32>
    %add3A_56 = arith.addf %add3A_45, %dot_general3A_55 : vector<2048x128xf32>
    %get3A_57 = arith.constant 2 : index
    %get3A_58 = arith.constant 0 : index
    %get3A_59 = arith.constant 0 : index
    %get3A_60 = vector.load %arg2[%get3A_57, %get3A_58, %get3A_59] : memref<8x2048x128xf32, #tpu.memory_space<vmem>>, vector<1x2048x128xf32>
    %get3A_61 = vector.shape_cast %get3A_60 : vector<1x2048x128xf32> to vector<2048x128xf32>
    %get3A_62 = arith.constant 256 : index
    %get3A_63 = arith.constant 0 : index
    %get3A_64 = vector.load %arg4[%get3A_62, %get3A_63] : memref<896x128xf32, #tpu.memory_space<vmem>>, vector<128x128xf32>
    %dot_general3A_65 = arith.constant dense<0.000000e+00> : vector<2048x128xf32>
    %dot_general3A_66 = tpu.matmul %get3A_61, %get3A_64, %dot_general3A_65 {dimension_numbers = #tpu.dot_dimension_numbers<[1], [0], [0], [1], [0, 0, 1, 1], [], []>, transpose_lhs_hint = false} : vector<2048x128xf32>, vector<128x128xf32>, vector<2048x128xf32> -> vector<2048x128xf32>
    %add3A_67 = arith.addf %add3A_56, %dot_general3A_66 : vector<2048x128xf32>
    %get3A_68 = arith.constant 3 : index
    %get3A_69 = arith.constant 0 : index
    %get3A_70 = arith.constant 0 : index
    %get3A_71 = vector.load %arg2[%get3A_68, %get3A_69, %get3A_70] : memref<8x2048x128xf32, #tpu.memory_space<vmem>>, vector<1x2048x128xf32>
    %get3A_72 = vector.shape_cast %get3A_71 : vector<1x2048x128xf32> to vector<2048x128xf32>
    %get3A_73 = arith.constant 384 : index
    %get3A_74 = arith.constant 0 : index
    %get3A_75 = vector.load %arg4[%get3A_73, %get3A_74] : memref<896x128xf32, #tpu.memory_space<vmem>>, vector<128x128xf32>
    %dot_general3A_76 = arith.constant dense<0.000000e+00> : vector<2048x128xf32>
    %dot_general3A_77 = tpu.matmul %get3A_72, %get3A_75, %dot_general3A_76 {dimension_numbers = #tpu.dot_dimension_numbers<[1], [0], [0], [1], [0, 0, 1, 1], [], []>, transpose_lhs_hint = false} : vector<2048x128xf32>, vector<128x128xf32>, vector<2048x128xf32> -> vector<2048x128xf32>
    %add3A_78 = arith.addf %add3A_67, %dot_general3A_77 : vector<2048x128xf32>
    %get3A_79 = arith.constant 6 : index
    %get3A_80 = arith.constant 0 : index
    %get3A_81 = arith.constant 0 : index
    %get3A_82 = vector.load %arg2[%get3A_79, %get3A_80, %get3A_81] : memref<8x2048x128xf32, #tpu.memory_space<vmem>>, vector<1x2048x128xf32>
    %get3A_83 = vector.shape_cast %get3A_82 : vector<1x2048x128xf32> to vector<2048x128xf32>
    %get3A_84 = arith.constant 640 : index
    %get3A_85 = arith.constant 0 : index
    %get3A_86 = vector.load %arg4[%get3A_84, %get3A_85] : memref<896x128xf32, #tpu.memory_space<vmem>>, vector<128x128xf32>
    %dot_general3A_87 = arith.constant dense<0.000000e+00> : vector<2048x128xf32>
    %dot_general3A_88 = tpu.matmul %get3A_83, %get3A_86, %dot_general3A_87 {dimension_numbers = #tpu.dot_dimension_numbers<[1], [0], [0], [1], [0, 0, 1, 1], [], []>, transpose_lhs_hint = false} : vector<2048x128xf32>, vector<128x128xf32>, vector<2048x128xf32> -> vector<2048x128xf32>
    %add3A_89 = arith.addf %add3A_78, %dot_general3A_88 : vector<2048x128xf32>
    %get3A_90 = arith.constant 7 : index
    %get3A_91 = arith.constant 0 : index
    %get3A_92 = arith.constant 0 : index
    %get3A_93 = vector.load %arg2[%get3A_90, %get3A_91, %get3A_92] : memref<8x2048x128xf32, #tpu.memory_space<vmem>>, vector<1x2048x128xf32>
    %get3A_94 = vector.shape_cast %get3A_93 : vector<1x2048x128xf32> to vector<2048x128xf32>
    %get3A_95 = arith.constant 768 : index
    %get3A_96 = arith.constant 0 : index
    %get3A_97 = vector.load %arg4[%get3A_95, %get3A_96] : memref<896x128xf32, #tpu.memory_space<vmem>>, vector<128x128xf32>
    %dot_general3A_98 = arith.constant dense<0.000000e+00> : vector<2048x128xf32>
    %dot_general3A_99 = tpu.matmul %get3A_94, %get3A_97, %dot_general3A_98 {dimension_numbers = #tpu.dot_dimension_numbers<[1], [0], [0], [1], [0, 0, 1, 1], [], []>, transpose_lhs_hint = false} : vector<2048x128xf32>, vector<128x128xf32>, vector<2048x128xf32> -> vector<2048x128xf32>
    %add3A_100 = arith.addf %add3A_89, %dot_general3A_99 : vector<2048x128xf32>
    %max3A = arith.constant 0.000000e+00 : f32
    %max3A_101 = vector.broadcast %max3A : f32 to vector<2048x128xf32>
    %max3A_102 = arith.maximumf %add3A_100, %max3A_101 : vector<2048x128xf32>
    %get3A_103 = arith.constant 0 : index
    %get3A_104 = arith.constant 0 : index
    %get3A_105 = vector.load %arg6[%get3A_103, %get3A_104] : memref<128x2xf32, #tpu.memory_space<vmem>>, vector<128x2xf32>
    %dot_general3A_106 = arith.constant dense<0.000000e+00> : vector<2x2048xf32>
    %dot_general3A_107 = tpu.matmul %get3A_105, %max3A_102, %dot_general3A_106 {dimension_numbers = #tpu.dot_dimension_numbers<[0], [1], [1], [0], [0, 1, 1, 0], [], []>, transpose_lhs_hint = false} : vector<128x2xf32>, vector<2048x128xf32>, vector<2x2048xf32> -> vector<2x2048xf32>
    %get3A_108 = arith.constant 0 : index
    %get3A_109 = arith.constant 0 : index
    %get3A_110 = vector.load %arg7[%get3A_108, %get3A_109] : memref<2x1xf32, #tpu.memory_space<vmem>>, vector<2x1xf32>
    %add3A_111 = vector.broadcast %get3A_110 : vector<2x1xf32> to vector<2x2048xf32>
    %add3A_112 = arith.addf %dot_general3A_107, %add3A_111 : vector<2x2048xf32>
    %reduce_max3A = arith.constant dense<0xFF800000> : vector<2048xf32>
    %reduce_max3A_113 = vector.multi_reduction <maximumf>, %add3A_112, %reduce_max3A [0] : vector<2x2048xf32> to vector<2048xf32>
    %broadcast_in_dim3A = vector.shape_cast %reduce_max3A_113 : vector<2048xf32> to vector<1x2048xf32>
    %sub3A_114 = vector.broadcast %broadcast_in_dim3A : vector<1x2048xf32> to vector<2x2048xf32>
    %sub3A_115 = arith.subf %add3A_112, %sub3A_114 : vector<2x2048xf32>
    %exp3A = math.exp %sub3A_115 : vector<2x2048xf32>
    %reduce_sum3A = arith.constant dense<0.000000e+00> : vector<2048xf32>
    %reduce_sum3A_116 = vector.multi_reduction <add>, %exp3A, %reduce_sum3A [0] : vector<2x2048xf32> to vector<2048xf32>
    %broadcast_in_dim3A_117 = vector.shape_cast %reduce_sum3A_116 : vector<2048xf32> to vector<1x2048xf32>
    %div3A = vector.broadcast %broadcast_in_dim3A_117 : vector<1x2048xf32> to vector<2x2048xf32>
    %div3A_118 = arith.divf %exp3A, %div3A : vector<2x2048xf32>
    %swap3A = arith.constant 0 : index
    %swap3A_119 = arith.constant 0 : index
    %swap3A_120 = vector.load %arg8[%swap3A, %swap3A_119] : memref<2x2048xf32, #tpu.memory_space<vmem>>, vector<2x2048xf32>
    tpu.vector_store %arg8[%swap3A, %swap3A_119], %div3A_118 {strides = array<i32>} : memref<2x2048xf32, #tpu.memory_space<vmem>>, vector<2x2048xf32>,
    return
  }
  func.func @transform_0(%arg0: i32) -> (i32, i32, i32) {
    %c0_i32 = arith.constant 0 : i32
    %c0_i32_0 = arith.constant 0 : i32
    %c0_i32_1 = arith.constant 0 : i32
    return %arg0, %c0_i32, %c0_i32_0 : i32, i32, i32
  }
  func.func @transform_1(%arg0: i32) -> (i32, i32, i32) {
    %c0_i32 = arith.constant 0 : i32
    %c0_i32_0 = arith.constant 0 : i32
    %c0_i32_1 = arith.constant 0 : i32
    return %c0_i32, %arg0, %c0_i32_0 : i32, i32, i32
  }
  func.func @transform_2(%arg0: i32) -> (i32, i32) {
    %c0_i32 = arith.constant 0 : i32
    %c0_i32_0 = arith.constant 0 : i32
    %c0_i32_1 = arith.constant 0 : i32
    return %c0_i32, %c0_i32_0 : i32, i32
  }
  func.func @transform_3(%arg0: i32) -> (i32, i32) {
    %c0_i32 = arith.constant 0 : i32
    %c0_i32_0 = arith.constant 0 : i32
    %c0_i32_1 = arith.constant 0 : i32
    return %c0_i32, %c0_i32_0 : i32, i32
  }
  func.func @transform_4(%arg0: i32) -> (i32, i32) {
    %c0_i32 = arith.constant 0 : i32
    %c0_i32_0 = arith.constant 0 : i32
    %c0_i32_1 = arith.constant 0 : i32
    return %c0_i32, %c0_i32_0 : i32, i32
  }
  func.func @transform_5(%arg0: i32) -> (i32, i32) {
    %c0_i32 = arith.constant 0 : i32
    %c0_i32_0 = arith.constant 0 : i32
    %c0_i32_1 = arith.constant 0 : i32
    return %c0_i32, %c0_i32_0 : i32, i32
  }
  func.func @transform_6(%arg0: i32) -> (i32, i32) {
    %c0_i32 = arith.constant 0 : i32
    %c0_i32_0 = arith.constant 0 : i32
    %c0_i32_1 = arith.constant 0 : i32
    return %c0_i32, %c0_i32_0 : i32, i32
  }
  func.func @transform_7(%arg0: i32) -> (i32, i32) {
    %c0_i32 = arith.constant 0 : i32
    %c0_i32_0 = arith.constant 0 : i32
    return %c0_i32, %arg0 : i32, i32
  }
}

</mosaic_0001>

<sc_bundles>
// kernel: kernel.4.cloned.1.call-start
scs
__scs_entry_jumppad:
0x0: {  	(pc) =	sbr.rel $0x88, $3  }
0x1: {  	(tag) =	ssettag $0x0;
	lr =	simm.s32 $0x1  }
0x2: {  	[smem:$0x3F95] =	sst lr;
	_ =	strace $0xD0000000  }
0x3: {  	_ = 	snop  }
0x4: {  	_ = 	snop  }
0x5: {  	_ = 	snop  }
0x6: {  	_ = 	snop  }
0x7: {  	_ = 	snop  }
__scs_overlays_trampoline_lowered:
0x8: {  	[smem:$0x3FA4] =	sst s0  }
0x9: {  	[smem:$0x3FA5] =	sst s1  }
0xa: {  	[smem:$0x3FA6] =	sst s2  }
0xb: {  	[smem:$0x3FA7] =	sst s3  }
0xc: {  	[smem:$0x3FA8] =	sst s4  }
0xd: {  	[smem:$0x3FA9] =	sst s5  }
0xe: {  	[smem:$0x3FAA] =	sst s6  }
0xf: {  	[smem:$0x3FAB] =	sst s7  }
0x10: {  	[smem:$0x3FAC] =	sst s8  }
0x11: {  	[smem:$0x3FAD] =	sst s9;
	s0 =	simm.s32 @!p0 $0x0  }
0x12: {  	s1 =	sld [smem:$0x3F93];
	s0 =	simm.s32 @p0 $0x1  }
0x13: {  	[smem:$0x3FAE] =	sst s0;
	s0 =	simm.s32 @!p1 $0x0  }
0x14: {  	s2 =	sld [smem:$0x3F92];
	s0 =	simm.s32 @p1 $0x1  }
0x15: {  	[smem:$0x3FAF] =	sst s0;
	s0 =	simm.s32 @!p2 $0x0  }
0x16: {  	s3 =	sld [smem:$0x3FDB];
	s0 =	simm.s32 @p2 $0x1  }
0x17: {  	s4 =	simm.s32 $0x1BF5;
	[smem:$0x3FB1] =	sst s0  }
0x18: {  	s0 =	sld [smem:$0x3F94];
	_ =	swait.ge [sflag:s4], $0x0  }
0x19: {  	s7 =	sld [smem:$0x3F95]  }
0x1a: {  	s8 =	sadd.s32 $0xFFFFE003, lr  }
0x1b: {  	s9 =	sadd.s32 $0xFFFFFEF7, lr;
	s5 =	simm.s32 $0xFFFFFFFF;
	p2 =	slt.u32 s8, $0xFFFFF086  }
0x1c: {  	p1 =	slt.u32 s9, $0xF7A;
	s5 =	simm.s32 @!p2 $0x0  }
0x1d: {  	s5 =	simm.s32 @p1 $0x1;
	p0 =	seq.s32 s7, s2  }
0x1e: {  	s7 =	smul.u32 @!p0 $0xF7A, s2;
	p2 =	seq.s32 @!p0 s5, $0x0  }
0x1f: {  	s9 =	smul.u32 $0xF7A, s1;
	s8 =	simm.s32 @!p0 $0x1BF5;
	p2 =	por !p2, p0  }
0x20: {  	[sflag:s8] =	ssyncset.s32 @!p0 $0xFFFFF086;
	s6 =	sadd.s32 @!p0 s3, s7;
	s7 =	simm.s32 @!p0 $0x108  }
0x21: {  	s3 =	sadd.s32 s3, s9;
	s6 =	sadd.s32 @!p0 $0x88, s6;
	s7 =	simm.s32 @p2 $0x1082  }
0x22: {  	[simem:s7], [sflag:s8] =	dma.local @!p0 [hbm:s6], $0xF7A  }
0x23: {  	s9 =	sor.u32 $0xD0000000, s2;
	s6 =	simm.s32 $0x108;
	_ =	swait.ge @!p0 [sflag:s8], $0x0  }
0x24: {  	s3 =	sadd.s32 $0x88, s3;
	s6 =	simm.s32 @!p1 $0x1082;
	[sflag:s4] =	ssyncset.s32 $0xFFFFF086  }
0x25: {  	[simem:s6], [sflag:s4] =	dma.local [hbm:s3], $0xF7A  }
0x26: {  	[smem:$0x3F95] =	sst s1;
	(tag) =	ssettag s2;
	_ =	strace s9  }
0x27: {  	s1 =	sld [smem:$0x3FA5]  }
0x28: {  	s2 =	sld [smem:$0x3FA6]  }
0x29: {  	s4 =	sld [smem:$0x3FA8]  }
0x2a: {  	p0 =	seq.s32 s5, $0x0;
	s5 =	sld [smem:$0x3FA9]  }
0x2b: {  	s6 =	sld [smem:$0x3FAA]  }
0x2c: {  	s7 =	sld [smem:$0x3FAB]  }
0x2d: {  	s3 =	simm.s32 $0x108;
	s8 =	sld [smem:$0x3FAC]  }
0x2e: {  	s3 =	simm.s32 @!p0 $0x1082;
	s9 =	sld [smem:$0x3FAD]  }
0x2f: {  	lr =	sadd.s32 s0, s3;
	s0 =	sld [smem:$0x3FA4]  }
0x30: {  	s3 =	sld [smem:$0x3FA7]  }
0x31: {  	[smem:$0x3FB0] =	sst s10  }
0x32: {  	s10 =	sld [smem:$0x3FAE];
	_ =	sdelay $0x3  }
0x33: {  	p0 =	seq.s32 s10, $0x1;
	s10 =	sld [smem:$0x3FB0];
	_ =	sdelay $0x3  }
0x34: {  	[smem:$0x3FB0] =	sst s10  }
0x35: {  	s10 =	sld [smem:$0x3FAF];
	_ =	sdelay $0x3  }
0x36: {  	p1 =	seq.s32 s10, $0x1;
	s10 =	sld [smem:$0x3FB0];
	_ =	sdelay $0x3  }
0x37: {  	[smem:$0x3FB0] =	sst s10  }
0x38: {  	s10 =	sld [smem:$0x3FB1]  }
0x39: {  	_ = 	snop;
	(pc) =	sbr.ind lr, $3  }
0x3a: {  	_ = 	snop  }
0x3b: {  	_ = 	snop  }
0x3c: {  	p2 =	seq.s32 s10, $0x1;
	s10 =	sld [smem:$0x3FB0]  }
0x3d: {  	_ =	shalt  }
0x3e: {  	_ =	shalt  }
0x3f: {  	_ =	shalt  }
0x40: {  	_ =	shalt  }
0x41: {  	_ =	shalt  }
0x42: {  	_ =	shalt  }
0x43: {  	_ =	shalt  }
0x44: {  	_ =	shalt  }
0x45: {  	_ =	shalt  }
0x46: {  	_ =	shalt  }
0x47: {  	_ =	shalt  }
0x48: {  	_ =	shalt  }
0x49: {  	_ =	shalt  }
0x4a: {  	_ =	shalt  }
0x4b: {  	_ =	shalt  }
0x4c: {  	_ =	shalt  }
0x4d: {  	_ =	shalt  }
0x4e: {  	_ =	shalt  }
0x4f: {  	_ =	shalt  }
0x50: {  	_ =	shalt  }
0x51: {  	_ =	shalt  }
0x52: {  	_ =	shalt  }
0x53: {  	_ =	shalt  }
0x54: {  	_ =	shalt  }
0x55: {  	_ =	shalt  }
0x56: {  	_ =	shalt  }
0x57: {  	_ =	shalt  }
0x58: {  	_ =	shalt  }
0x59: {  	_ =	shalt  }
0x5a: {  	_ =	shalt  }
0x5b: {  	_ =	shalt  }
0x5c: {  	_ =	shalt  }
0x5d: {  	_ =	shalt  }
0x5e: {  	_ =	shalt  }
0x5f: {  	_ =	shalt  }
0x60: {  	_ =	shalt  }
0x61: {  	_ =	shalt  }
0x62: {  	_ =	shalt  }
0x63: {  	_ =	shalt  }
0x64: {  	_ =	shalt  }
0x65: {  	_ =	shalt  }
0x66: {  	_ =	shalt  }
0x67: {  	_ =	shalt  }
0x68: {  	_ =	shalt  }
0x69: {  	_ =	shalt  }
0x6a: {  	_ =	shalt  }
0x6b: {  	_ =	shalt  }
0x6c: {  	_ =	shalt  }
0x6d: {  	_ =	shalt  }
0x6e: {  	_ =	shalt  }
0x6f: {  	_ =	shalt  }
0x70: {  	_ =	shalt  }
0x71: {  	_ =	shalt  }
0x72: {  	_ =	shalt  }
0x73: {  	_ =	shalt  }
0x74: {  	_ =	shalt  }
0x75: {  	_ =	shalt  }
0x76: {  	_ =	shalt  }
0x77: {  	_ =	shalt  }
0x78: {  	_ =	shalt  }
0x79: {  	_ =	shalt  }
0x7a: {  	_ =	shalt  }
0x7b: {  	_ =	shalt  }
0x7c: {  	_ =	shalt  }
0x7d: {  	_ =	shalt  }
0x7e: {  	_ =	shalt  }
0x7f: {  	_ =	shalt  }
0x80: {  	_ =	shalt  }
0x81: {  	_ =	shalt  }
0x82: {  	_ =	shalt  }
0x83: {  	_ =	shalt  }
0x84: {  	_ =	shalt  }
0x85: {  	_ =	shalt  }
0x86: {  	_ =	shalt  }
0x87: {  	_ =	shalt  }
.Lfunc_end0:
.L_simem_size_0:
called_computation_lowered:
.L_overlay_start_0:
0x88: {  	s2 =	sld [smem:$0x3FD9]  }
0x89: {  	s3 =	sld [smem:$0x3FFE];
	_ =	sdelay $0x1  }
0x8a: {  	s1 =	srdreg.scid  }
0x8b: {  	s0 =	sand.u32 $0x1, s1  }
0x8c: {  	s17 =	sshll.u32 s0, $0xA;
	s2 =	sadd.s32 s3, s2  }
0x8d: {  	s2 =	sadd.s32 s2, s17  }
0x8e: {  	[smem:$0x3FBC] =	sst s2  }
0x8f: {  	_ = 	snop  }
0x90: {  	s2 =	sld [smem:$0x3FC9]  }
0x91: {  	s18 =	sld [smem:$0x3FC7]  }
0x92: {  	s4 =	sld [smem:$0x3FC6]  }
0x93: {  	s5 =	sld [smem:$0x3FC4]  }
0x94: {  	s6 =	sld [smem:$0x3FC3]  }
0x95: {  	s7 =	sld [smem:$0x3FC2];
	(tm) =	ssettm $0x1  }
0x96: {  	s8 =	sld [smem:$0x3FFB];
	_ =	sdelay $0x3  }
0x97: {  	_ =	strace s8  }
0x98: {  	s8 =	sld [smem:$0x3FFC];
	_ =	sdelay $0x3  }
0x99: {  	_ =	strace s8  }
0x9a: {  	s8 =	sld [smem:$0x3FFD];
	_ =	sdelay $0x3  }
0x9b: {  	_ =	strace s8  }
0x9c: {  	_ =	strace $0x8FFFFFFF  }
0x9d: {  	s19 =	sld [smem:$0x3FDB];
	_ =	sdelay $0x1  }
0x9e: {  	s9 =	simm.s32 $_scs_section_size  }
0x9f: {  	s10 =	simm.s32 $_size__tile_overlayer_lowered;
	s11 =	simm.s32 $_tile_overlayer_lowered  }
0xa0: {  	s22 =	simm.s32 $0x1BFF;
	s21 =	sshll.u32 s11, $0x1;
	s8 =	sadd.s32 s9, s19  }
0xa1: {  	s12 =	simm.s32 $0x0;
	s20 =	sshll.u32 s10, $0x1;
	s10 =	sadd.s32 s21, s8  }
0xa2: {  	[timem:s12], [sflag:s22] =	dma.local [hbm:s10], s20  }
0xa3: {  	_ =	swait.ge [sflag:s22], s20  }
0xa4: {  	s9 =	ssub.s32 $0x0, s20;
	[sflag:s22] =	ssyncset.done $0x0  }
0xa5: {  	[sflag:s22] =	ssyncadd.s32 s9;
	_ =	sdelay $0x1  }
0xa6: {  	s23 =	simm.s32 $0x1B8B  }
0xa7: {  	_ =	swait.ge [sflag:s23], $0x1  }
0xa8: {  	[sflag:s23] =	ssyncset.done $0x0  }
0xa9: {  	s25 =	simm.s32 $0x1B8E;
	s24 =	sld [smem:$0x3FFE];
	[sflag:s23] =	ssyncadd.s32 $0xFFFFFFFF  }
0xaa: {  	s26 =	simm.s32 $execute0_lowered;
	[smem:$0x3FD2] =	sst s25  }
0xab: {  	s10 =	sshll.u32 s26, $0x1;
	_ =	strace $0x80000046;
	[dreg:$0x1] =	wrdreg $0xFFFFFFFF  }
0xac: {  	s28 =	simm.s32 $_size_execute0_lowered;
	s8 =	sadd.s32 s8, s10;
	[dreg:$0x0] =	wrdreg $0x0  }
0xad: {  	s10 =	sshll.u32 s28, $0x1;
	[dreg:$0x2] =	wrdreg s8  }
0xae: {  	[dreg:$0x3] =	wrdreg s10  }
0xaf: {  	[dreg:$0x4] =	wrdreg $0xC0  }
0xb0: {  	_ =	task [dreg:s12], $0x5FFFF  }
0xb1: {  	[dreg:$0x1] =	wrdreg $0xFFFFFFFF  }
0xb2: {  	[dreg:$0x0] =	wrdreg $0x60  }
0xb3: {  	[dreg:$0x2] =	wrdreg s2  }
0xb4: {  	[dreg:$0x3] =	wrdreg s18  }
0xb5: {  	[dreg:$0x4] =	wrdreg s5  }
0xb6: {  	[dreg:$0x5] =	wrdreg s6  }
0xb7: {  	[dreg:$0x6] =	wrdreg s4  }
0xb8: {  	[dreg:$0x7] =	wrdreg s7  }
0xb9: {  	[dreg:$0x8] =	wrdreg s24  }
0xba: {  	[dreg:$0x9] =	wrdreg $0x9  }
0xbb: {  	_ =	task.clear_ibuf [dreg:s12], $0xAFFFF;
	_ =	strace $0x90000046  }
0xbc: {  	s29 =	simm.s32 $0x9;
	_ =	strace $0x80000048  }
0xbd: {  	_ =	swait.ge [sflag:s29], $0x1  }
0xbe: {  	[sflag:s29] =	ssyncadd.s32 $0xFFFFFFFF  }
0xbf: {  	_ =	strace $0x90000048  }
0xc0: {  	_ =	sfence  }
0xc1: {  	s30 =	sld [smem:$0x0];
	_ =	sdelay $0x2  }
0xc2: {  	s31 =	sshll.u32 s1, $0xD;
	s1 =	sshrl.u32 s1, $0x2  }
0xc3: {  	s3 =	sand.u32 $0x4000, s31;
	s1 =	sadd.s32 s1, s30  }
0xc4: {  	s0 =	sor.u32 s3, s0;
	s1 =	sshll.u32 s1, $0x11  }
0xc5: {  	s0 =	sor.u32 s1, s0  }
0xc6: {  	s0 =	sadd.s32 $0x8F2B, s0  }
0xc7: {  	[sflag:s0] =	ssyncadd.remote.s32 $0x1  }
0xc8: {  	_ =	sfence.sel $0xFFFF  }
0xc9: {  	[dreg:$0x0] =	wrdreg $0xFFFFFFFF;
	(pc) =	sbr.abs _section_cstart, $3  }
0xca: {  	[dreg:$0x1] =	wrdreg $0xFFFFFFFF  }
0xcb: {  	_ =	task.clear_ibuf [dreg:s12], $0x2FFFF;
	_ =	strace $0x9FFFFFFF  }
0xcc: {  	(tm) =	ssettm $0x7FFFFFFF  }
0xcd: {  	_ =	shalt  }
tec
execute0_lowered:
.L_overlay_start_1:
0x0: {  	(tag) =	ssettag $0x1  }
0x1: {  	s7 =	rddreg [dreg:$0x0]  }
0x2: {  	s8 =	rddreg [dreg:$0x1]  }
0x3: {  	s1 =	rddreg [dreg:$0x2]  }
0x4: {  	s2 =	rddreg [dreg:$0x3];
	s3 =	srdreg.scid  }
0x5: {  	s4 =	rddreg [dreg:$0x4];
	s0 =	stileid.u32;
	s3 =	sand.u32 $0x1, s3  }
0x6: {  	s5 =	rddreg [dreg:$0x5];
	s10 =	sshll.u32 s0, $0xA;
	s11 =	sshll.u32 s3, $0x9  }
0x7: {  	s9 =	rddreg [dreg:$0x6];
	s6 =	simm.s32 $0x0;
	s10 =	sor.u32 s11, s10  }
0x8: {  	[smem:$0x7FF] =	sst s6;
	s11 =	sshrl.u32 s10, $0x3  }
0x9: {  	_ =	strace $0x80000047;
	s10 =	sshll.u32 s10, $0x4;
	s7 =	sadd.s32 s7, s11  }
0xa: {  	s31 =	sadd.s32 s10, s9;
	s17 =	sadd.s32 s8, s11;
	[dreg:$0x8] =	wrdreg s7  }
0xb: {  	[dreg:$0x9] =	wrdreg s17;
	s18 =	sadd.s32 $0x1000, s31  }
0xc: {  	s19 =	sadd.s32 $0x2000, s31;
	[dreg:$0xa] =	wrdreg s18  }
0xd: {  	s20 =	sadd.s32 $0x41000, s31;
	[dreg:$0xb] =	wrdreg s19  }
0xe: {  	[dreg:$0xc] =	wrdreg s20  }
0xf: {  	s21 =	sadd.s32 $0x42000, s31;
	s22 =	rddreg [dreg:$0x8]  }
0x10: {  	s23 =	sadd.s32 $0x81000, s31;
	[dreg:$0xd] =	wrdreg s21  }
0x11: {  	s7 =	simm.s32 $0x7;
	[dreg:$0xe] =	wrdreg s23  }
0x12: {  	[tilespmem:s6], [sflag:$0x7] =	stream.linear.gather [hbm4b:s22+s6], $0x200, $0x38;
	[tilespmem:$0x18400] =	vst v63  }
0x13: {  	_ =	swait.ge [sflag:s7], $0x200  }
0x14: {  	[sflag:s7] =	ssyncset.done $0x0  }
0x15: {  	s8 =	simm.s32 $0x200;
	s24 =	rddreg [dreg:$0x9];
	[sflag:s7] =	ssyncadd.s32 $0xFFFFFE00  }
0x16: {  	[tilespmem:s8], [sflag:$0x7] =	stream.linear.gather [hbm4b:s24+s6], $0x200, $0x38;
	[tilespmem:$0x18400] =	vst v63  }
0x17: {  	_ =	swait.ge [sflag:s7], $0x200  }
0x18: {  	[sflag:s7] =	ssyncset.done $0x0  }
0x19: {  	s9 =	simm.s32 $0x100;
	s10 =	simm.s32 $0x400;
	[sflag:s7] =	ssyncadd.s32 $0xFFFFFE00  }
0x1a: {  	[tilespmem:s10], [sflag:$0x1] =	stream.indirect.gather [hbm4b:s1+s9], $0x80, s6, s9, $0xb8;
	[tilespmem:$0x18400] =	vst v63  }
0x1b: {  	s11 =	simm.s32 $0x8400  }
0x1c: {  	[tilespmem:s11], [sflag:$0x2] =	stream.indirect.gather [hbm4b:s1+s9], $0x80, s9, s9, $0xb8;
	[tilespmem:$0x18400] =	vst v63  }
0x1d: {  	s12 =	simm.s32 $0x10400;
	s13 =	simm.s32 $0x1  }
0x1e: {  	[tilespmem:s12], [sflag:$0x3] =	stream.indirect.gather [hbm4b:s1+s9], $0x80, s8, s9, $0xb8;
	[tilespmem:$0x18400] =	vst v63  }
0x1f: {  	_ =	swait.ge [sflag:s13], $0x8000  }
0x20: {  	[sflag:s13] =	ssyncset.done $0x0  }
0x21: {  	s14 =	simm.s32 $0x4;
	s15 =	rddreg [dreg:$0xa];
	[sflag:s13] =	ssyncadd.s32 $0xFFFF8000  }
0x22: {  	[hbm4b:s15+s6] =	stream.linear.scatter [tilespmem:s10], [sflag:$0x4], $0x8000, $0x38;
	[tilespmem:$0x18400] =	vst v63  }
0x23: {  	_ =	swait.ge [sflag:s14], $0x8000  }
0x24: {  	[sflag:s14] =	ssyncset.done $0x0  }
0x25: {  	s16 =	simm.s32 $0x2;
	s15 =	simm.s32 $0x300;
	[sflag:s14] =	ssyncadd.s32 $0xFFFF8000  }
0x26: {  	[tilespmem:s10], [sflag:$0x1] =	stream.indirect.gather [hbm4b:s1+s9], $0x80, s15, s9, $0xb8;
	[tilespmem:$0x18400] =	vst v63  }
0x27: {  	_ =	swait.ge [sflag:s16], $0x8000  }
0x28: {  	[sflag:s16] =	ssyncset.done $0x0  }
0x29: {  	s17 =	simm.s32 $0x5;
	s18 =	rddreg [dreg:$0xb];
	[sflag:s16] =	ssyncadd.s32 $0xFFFF8000  }
0x2a: {  	[hbm4b:s18+s6] =	stream.linear.scatter [tilespmem:s11], [sflag:$0x5], $0x8000, $0x38;
	[tilespmem:$0x18400] =	vst v63  }
0x2b: {  	_ =	swait.ge [sflag:s17], $0x8000  }
0x2c: {  	[sflag:s17] =	ssyncset.done $0x0  }
0x2d: {  	s18 =	simm.s32 $0x3;
	[sflag:s17] =	ssyncadd.s32 $0xFFFF8000  }
0x2e: {  	[tilespmem:s11], [sflag:$0x2] =	stream.indirect.gather [hbm4b:s2+s9], $0x80, s6, s9, $0xb8;
	[tilespmem:$0x18400] =	vst v63  }
0x2f: {  	_ =	swait.ge [sflag:s18], $0x8000  }
0x30: {  	[sflag:s18] =	ssyncset.done $0x0  }
0x31: {  	s19 =	simm.s32 $0x6;
	s20 =	rddreg [dreg:$0xc];
	[sflag:s18] =	ssyncadd.s32 $0xFFFF8000  }
0x32: {  	[hbm4b:s20+s6] =	stream.linear.scatter [tilespmem:s12], [sflag:$0x6], $0x8000, $0x38;
	[tilespmem:$0x18400] =	vst v63  }
0x33: {  	_ =	swait.ge [sflag:s19], $0x8000  }
0x34: {  	[sflag:s19] =	ssyncset.done $0x0  }
0x35: {  	[sflag:s19] =	ssyncadd.s32 $0xFFFF8000  }
0x36: {  	[tilespmem:s12], [sflag:$0x3] =	stream.indirect.gather [hbm4b:s2+s9], $0x80, s9, s9, $0xb8;
	[tilespmem:$0x18400] =	vst v63  }
0x37: {  	_ =	swait.ge [sflag:s13], $0x8000  }
0x38: {  	[sflag:s13] =	ssyncset.done $0x0  }
0x39: {  	s25 =	rddreg [dreg:$0xd];
	[sflag:s13] =	ssyncadd.s32 $0xFFFF8000  }
0x3a: {  	[hbm4b:s25+s6] =	stream.linear.scatter [tilespmem:s10], [sflag:$0x4], $0x8000, $0x38;
	[tilespmem:$0x18400] =	vst v63  }
0x3b: {  	_ =	swait.ge [sflag:s14], $0x8000  }
0x3c: {  	[sflag:s14] =	ssyncset.done $0x0  }
0x3d: {  	[sflag:s14] =	ssyncadd.s32 $0xFFFF8000  }
0x3e: {  	[tilespmem:s10], [sflag:$0x1] =	stream.indirect.gather [hbm4b:s2+s9], $0x80, s8, s9, $0xb8;
	[tilespmem:$0x18400] =	vst v63  }
0x3f: {  	_ =	swait.ge [sflag:s16], $0x8000  }
0x40: {  	[sflag:s16] =	ssyncset.done $0x0  }
0x41: {  	s26 =	rddreg [dreg:$0xe];
	[sflag:s16] =	ssyncadd.s32 $0xFFFF8000  }
0x42: {  	[hbm4b:s26+s6] =	stream.linear.scatter [tilespmem:s11], [sflag:$0x5], $0x8000, $0x38;
	[tilespmem:$0x18400] =	vst v63  }
0x43: {  	_ =	swait.ge [sflag:s17], $0x8000  }
0x44: {  	[sflag:s17] =	ssyncset.done $0x0  }
0x45: {  	[sflag:s17] =	ssyncadd.s32 $0xFFFF8000  }
0x46: {  	[tilespmem:s11], [sflag:$0x2] =	stream.indirect.gather [hbm4b:s2+s9], $0x80, s15, s9, $0xb8;
	[tilespmem:$0x18400] =	vst v63  }
0x47: {  	_ =	swait.ge [sflag:s18], $0x8000  }
0x48: {  	[sflag:s18] =	ssyncset.done $0x0  }
0x49: {  	s20 =	sadd.s32 $0x82000, s31;
	[sflag:s18] =	ssyncadd.s32 $0xFFFF8000  }
0x4a: {  	[hbm4b:s20+s6] =	stream.linear.scatter [tilespmem:s12], [sflag:$0x6], $0x8000, $0x38;
	[tilespmem:$0x18400] =	vst v63  }
0x4b: {  	_ =	swait.ge [sflag:s19], $0x8000  }
0x4c: {  	[sflag:s19] =	ssyncset.done $0x0  }
0x4d: {  	[sflag:s19] =	ssyncadd.s32 $0xFFFF8000  }
0x4e: {  	[tilespmem:s12], [sflag:$0x3] =	stream.indirect.gather [hbm4b:s4+s9], $0x80, s6, s9, $0xb8;
	[tilespmem:$0x18400] =	vst v63  }
0x4f: {  	_ =	swait.ge [sflag:s13], $0x8000  }
0x50: {  	[sflag:s13] =	ssyncset.done $0x0  }
0x51: {  	s21 =	sadd.s32 $0xC1000, s31;
	[sflag:s13] =	ssyncadd.s32 $0xFFFF8000  }
0x52: {  	[hbm4b:s21+s6] =	stream.linear.scatter [tilespmem:s10], [sflag:$0x4], $0x8000, $0x38;
	[tilespmem:$0x18400] =	vst v63  }
0x53: {  	_ =	swait.ge [sflag:s14], $0x8000  }
0x54: {  	[sflag:s14] =	ssyncset.done $0x0  }
0x55: {  	[sflag:s14] =	ssyncadd.s32 $0xFFFF8000  }
0x56: {  	[tilespmem:s10], [sflag:$0x1] =	stream.indirect.gather [hbm4b:s4+s9], $0x80, s9, s9, $0xb8;
	[tilespmem:$0x18400] =	vst v63  }
0x57: {  	_ =	swait.ge [sflag:s16], $0x8000  }
0x58: {  	[sflag:s16] =	ssyncset.done $0x0  }
0x59: {  	s22 =	sadd.s32 $0xC2000, s31;
	[sflag:s16] =	ssyncadd.s32 $0xFFFF8000  }
0x5a: {  	[hbm4b:s22+s6] =	stream.linear.scatter [tilespmem:s11], [sflag:$0x5], $0x8000, $0x38;
	[tilespmem:$0x18400] =	vst v63  }
0x5b: {  	_ =	swait.ge [sflag:s17], $0x8000  }
0x5c: {  	[sflag:s17] =	ssyncset.done $0x0  }
0x5d: {  	[sflag:s17] =	ssyncadd.s32 $0xFFFF8000  }
0x5e: {  	[tilespmem:s11], [sflag:$0x2] =	stream.indirect.gather [hbm4b:s4+s9], $0x80, s8, s9, $0xb8;
	[tilespmem:$0x18400] =	vst v63  }
0x5f: {  	_ =	swait.ge [sflag:s18], $0x8000  }
0x60: {  	[sflag:s18] =	ssyncset.done $0x0  }
0x61: {  	s23 =	sadd.s32 $0x101000, s31;
	[sflag:s18] =	ssyncadd.s32 $0xFFFF8000  }
0x62: {  	[hbm4b:s23+s6] =	stream.linear.scatter [tilespmem:s12], [sflag:$0x6], $0x8000, $0x38;
	[tilespmem:$0x18400] =	vst v63  }
0x63: {  	_ =	swait.ge [sflag:s19], $0x8000  }
0x64: {  	[sflag:s19] =	ssyncset.done $0x0  }
0x65: {  	[sflag:s19] =	ssyncadd.s32 $0xFFFF8000  }
0x66: {  	[tilespmem:s12], [sflag:$0x3] =	stream.indirect.gather [hbm4b:s4+s9], $0x80, s15, s9, $0xb8;
	[tilespmem:$0x18400] =	vst v63  }
0x67: {  	_ =	swait.ge [sflag:s13], $0x8000  }
0x68: {  	[sflag:s13] =	ssyncset.done $0x0  }
0x69: {  	s24 =	sadd.s32 $0x102000, s31;
	[sflag:s13] =	ssyncadd.s32 $0xFFFF8000  }
0x6a: {  	[hbm4b:s24+s6] =	stream.linear.scatter [tilespmem:s10], [sflag:$0x4], $0x8000, $0x38;
	[tilespmem:$0x18400] =	vst v63  }
0x6b: {  	_ =	swait.ge [sflag:s14], $0x8000  }
0x6c: {  	[sflag:s14] =	ssyncset.done $0x0  }
0x6d: {  	[sflag:s14] =	ssyncadd.s32 $0xFFFF8000  }
0x6e: {  	[tilespmem:s10], [sflag:$0x1] =	stream.indirect.gather [hbm4b:s5+s9], $0x80, s6, s9, $0xb8;
	[tilespmem:$0x18400] =	vst v63  }
0x6f: {  	_ =	swait.ge [sflag:s16], $0x8000  }
0x70: {  	[sflag:s16] =	ssyncset.done $0x0  }
0x71: {  	s25 =	sadd.s32 $0x141000, s31;
	[sflag:s16] =	ssyncadd.s32 $0xFFFF8000  }
0x72: {  	[hbm4b:s25+s6] =	stream.linear.scatter [tilespmem:s11], [sflag:$0x5], $0x8000, $0x38;
	[tilespmem:$0x18400] =	vst v63  }
0x73: {  	_ =	swait.ge [sflag:s17], $0x8000  }
0x74: {  	[sflag:s17] =	ssyncset.done $0x0  }
0x75: {  	[sflag:s17] =	ssyncadd.s32 $0xFFFF8000  }
0x76: {  	[tilespmem:s11], [sflag:$0x2] =	stream.indirect.gather [hbm4b:s5+s9], $0x80, s9, s9, $0xb8;
	[tilespmem:$0x18400] =	vst v63  }
0x77: {  	_ =	swait.ge [sflag:s18], $0x8000  }
0x78: {  	[sflag:s18] =	ssyncset.done $0x0  }
0x79: {  	s26 =	sadd.s32 $0x142000, s31;
	[sflag:s18] =	ssyncadd.s32 $0xFFFF8000  }
0x7a: {  	[hbm4b:s26+s6] =	stream.linear.scatter [tilespmem:s12], [sflag:$0x6], $0x8000, $0x38;
	[tilespmem:$0x18400] =	vst v63  }
0x7b: {  	_ =	swait.ge [sflag:s19], $0x8000  }
0x7c: {  	[sflag:s19] =	ssyncset.done $0x0  }
0x7d: {  	[sflag:s19] =	ssyncadd.s32 $0xFFFF8000  }
0x7e: {  	[tilespmem:s12], [sflag:$0x3] =	stream.indirect.gather [hbm4b:s5+s9], $0x80, s8, s9, $0xb8;
	[tilespmem:$0x18400] =	vst v63  }
0x7f: {  	_ =	swait.ge [sflag:s13], $0x8000  }
0x80: {  	[sflag:s13] =	ssyncset.done $0x0  }
0x81: {  	s28 =	sadd.s32 $0x181000, s31;
	[sflag:s13] =	ssyncadd.s32 $0xFFFF8000  }
0x82: {  	[hbm4b:s28+s6] =	stream.linear.scatter [tilespmem:s10], [sflag:$0x4], $0x8000, $0x38;
	[tilespmem:$0x18400] =	vst v63  }
0x83: {  	_ =	swait.ge [sflag:s14], $0x8000  }
0x84: {  	[sflag:s14] =	ssyncset.done $0x0  }
0x85: {  	[sflag:s14] =	ssyncadd.s32 $0xFFFF8000  }
0x86: {  	[tilespmem:s10], [sflag:$0x1] =	stream.indirect.gather [hbm4b:s5+s9], $0x80, s15, s9, $0xb8;
	[tilespmem:$0x18400] =	vst v63  }
0x87: {  	_ =	swait.ge [sflag:s16], $0x8000  }
0x88: {  	[sflag:s16] =	ssyncset.done $0x0  }
0x89: {  	s29 =	sadd.s32 $0x182000, s31;
	[sflag:s16] =	ssyncadd.s32 $0xFFFF8000  }
0x8a: {  	[hbm4b:s29+s6] =	stream.linear.scatter [tilespmem:s11], [sflag:$0x5], $0x8000, $0x38;
	[tilespmem:$0x18400] =	vst v63  }
0x8b: {  	_ =	swait.ge [sflag:s18], $0x8000  }
0x8c: {  	[sflag:s18] =	ssyncset.done $0x0  }
0x8d: {  	s30 =	sadd.s32 $0x1C1000, s31;
	[sflag:s18] =	ssyncadd.s32 $0xFFFF8000  }
0x8e: {  	[hbm4b:s30+s6] =	stream.linear.scatter [tilespmem:s12], [sflag:$0x6], $0x8000, $0x38;
	[tilespmem:$0x18400] =	vst v63  }
0x8f: {  	s3 =	ssub.s32 $0x2, s3;
	_ =	swait.ge [sflag:s13], $0x8000  }
0x90: {  	s0 =	sshrl.u32 s3, $0x1;
	[sflag:s13] =	ssyncset.done $0x0  }
0x91: {  	s0 =	ssub.s32 s3, s0;
	s31 =	sadd.s32 $0x1C2000, s31;
	[sflag:s13] =	ssyncadd.s32 $0xFFFF8000  }
0x92: {  	[hbm4b:s31+s6] =	stream.linear.scatter [tilespmem:s10], [sflag:$0x4], $0x8000, $0x38;
	[tilespmem:$0x18400] =	vst v63  }
0x93: {  	s0 =	smax.u32 s0, $0x1;
	_ =	swait.ge [sflag:s17], $0x8000  }
0x94: {  	p0 =	sne.s32 s0, $0x1;
	[sflag:s17] =	ssyncset.done $0x0  }
.Ltmp0:
0x95: {  	[sflag:s17] =	ssyncadd.s32 $0xFFFF8000;
	(pc) =	sbr.rel @!p0 .LBB2_2-.Ltmp0, $4  }
0x96: {  	_ =	swait.ge [sflag:s19], $0x8000  }
0x97: {  	[sflag:s19] =	ssyncset.done $0x0  }
0x98: {  	[sflag:s19] =	ssyncadd.s32 $0xFFFF8000  }
0x99: {  	s3 =	sadd.s32 $0xFFFFFFFF, s0;
	_ =	swait.ge [sflag:s14], $0x8000  }
.LBB2_1:
0x9a: {  	[sflag:s14] =	ssyncset.done $0x0  }
0x9b: {  	s0 =	rddreg [dreg:$0x8];
	[sflag:s14] =	ssyncadd.s32 $0xFFFF8000  }
0x9c: {  	[tilespmem:s6], [sflag:$0x7] =	stream.linear.gather [hbm4b:s0+s6], $0x200, $0x38;
	[tilespmem:$0x18400] =	vst v63  }
0x9d: {  	_ =	swait.ge [sflag:s7], $0x200  }
0x9e: {  	[sflag:s7] =	ssyncset.done $0x0  }
0x9f: {  	s0 =	rddreg [dreg:$0x9];
	[sflag:s7] =	ssyncadd.s32 $0xFFFFFE00  }
0xa0: {  	[tilespmem:s8], [sflag:$0x7] =	stream.linear.gather [hbm4b:s0+s6], $0x200, $0x38;
	[tilespmem:$0x18400] =	vst v63  }
0xa1: {  	_ =	swait.ge [sflag:s7], $0x200  }
0xa2: {  	[sflag:s7] =	ssyncset.done $0x0  }
0xa3: {  	[sflag:s7] =	ssyncadd.s32 $0xFFFFFE00  }
0xa4: {  	[tilespmem:s10], [sflag:$0x1] =	stream.indirect.gather [hbm4b:s1+s9], $0x80, s6, s9, $0xb8;
	[tilespmem:$0x18400] =	vst v63  }
0xa5: {  	_ = 	snop  }
0xa6: {  	[tilespmem:s11], [sflag:$0x2] =	stream.indirect.gather [hbm4b:s1+s9], $0x80, s9, s9, $0xb8;
	[tilespmem:$0x18400] =	vst v63  }
0xa7: {  	_ = 	snop  }
0xa8: {  	[tilespmem:s12], [sflag:$0x3] =	stream.indirect.gather [hbm4b:s1+s9], $0x80, s8, s9, $0xb8;
	[tilespmem:$0x18400] =	vst v63  }
0xa9: {  	_ =	swait.ge [sflag:s13], $0x8000  }
0xaa: {  	[sflag:s13] =	ssyncset.done $0x0  }
0xab: {  	s0 =	rddreg [dreg:$0xa];
	[sflag:s13] =	ssyncadd.s32 $0xFFFF8000  }
0xac: {  	[hbm4b:s0+s6] =	stream.linear.scatter [tilespmem:s10], [sflag:$0x4], $0x8000, $0x38;
	[tilespmem:$0x18400] =	vst v63  }
0xad: {  	_ =	swait.ge [sflag:s14], $0x8000  }
0xae: {  	[sflag:s14] =	ssyncset.done $0x0  }
0xaf: {  	[sflag:s14] =	ssyncadd.s32 $0xFFFF8000  }
0xb0: {  	[tilespmem:s10], [sflag:$0x1] =	stream.indirect.gather [hbm4b:s1+s9], $0x80, s15, s9, $0xb8;
	[tilespmem:$0x18400] =	vst v63  }
0xb1: {  	_ =	swait.ge [sflag:s16], $0x8000  }
0xb2: {  	[sflag:s16] =	ssyncset.done $0x0  }
0xb3: {  	s0 =	rddreg [dreg:$0xb];
	[sflag:s16] =	ssyncadd.s32 $0xFFFF8000  }
0xb4: {  	[hbm4b:s0+s6] =	stream.linear.scatter [tilespmem:s11], [sflag:$0x5], $0x8000, $0x38;
	[tilespmem:$0x18400] =	vst v63  }
0xb5: {  	_ =	swait.ge [sflag:s17], $0x8000  }
0xb6: {  	[sflag:s17] =	ssyncset.done $0x0  }
0xb7: {  	[sflag:s17] =	ssyncadd.s32 $0xFFFF8000  }
0xb8: {  	[tilespmem:s11], [sflag:$0x2] =	stream.indirect.gather [hbm4b:s2+s9], $0x80, s6, s9, $0xb8;
	[tilespmem:$0x18400] =	vst v63  }
0xb9: {  	_ =	swait.ge [sflag:s18], $0x8000  }
0xba: {  	[sflag:s18] =	ssyncset.done $0x0  }
0xbb: {  	s0 =	rddreg [dreg:$0xc];
	[sflag:s18] =	ssyncadd.s32 $0xFFFF8000  }
0xbc: {  	[hbm4b:s0+s6] =	stream.linear.scatter [tilespmem:s12], [sflag:$0x6], $0x8000, $0x38;
	[tilespmem:$0x18400] =	vst v63  }
0xbd: {  	_ =	swait.ge [sflag:s19], $0x8000  }
0xbe: {  	[sflag:s19] =	ssyncset.done $0x0  }
0xbf: {  	[sflag:s19] =	ssyncadd.s32 $0xFFFF8000  }
0xc0: {  	[tilespmem:s12], [sflag:$0x3] =	stream.indirect.gather [hbm4b:s2+s9], $0x80, s9, s9, $0xb8;
	[tilespmem:$0x18400] =	vst v63  }
0xc1: {  	_ =	swait.ge [sflag:s13], $0x8000  }
0xc2: {  	[sflag:s13] =	ssyncset.done $0x0  }
0xc3: {  	s0 =	rddreg [dreg:$0xd];
	[sflag:s13] =	ssyncadd.s32 $0xFFFF8000  }
0xc4: {  	[hbm4b:s0+s6] =	stream.linear.scatter [tilespmem:s10], [sflag:$0x4], $0x8000, $0x38;
	[tilespmem:$0x18400] =	vst v63  }
0xc5: {  	_ =	swait.ge [sflag:s14], $0x8000  }
0xc6: {  	[sflag:s14] =	ssyncset.done $0x0  }
0xc7: {  	[sflag:s14] =	ssyncadd.s32 $0xFFFF8000  }
0xc8: {  	[tilespmem:s10], [sflag:$0x1] =	stream.indirect.gather [hbm4b:s2+s9], $0x80, s8, s9, $0xb8;
	[tilespmem:$0x18400] =	vst v63  }
0xc9: {  	_ =	swait.ge [sflag:s16], $0x8000  }
0xca: {  	[sflag:s16] =	ssyncset.done $0x0  }
0xcb: {  	s0 =	rddreg [dreg:$0xe];
	[sflag:s16] =	ssyncadd.s32 $0xFFFF8000  }
0xcc: {  	[hbm4b:s0+s6] =	stream.linear.scatter [tilespmem:s11], [sflag:$0x5], $0x8000, $0x38;
	[tilespmem:$0x18400] =	vst v63  }
0xcd: {  	_ =	swait.ge [sflag:s17], $0x8000  }
0xce: {  	[sflag:s17] =	ssyncset.done $0x0  }
0xcf: {  	[sflag:s17] =	ssyncadd.s32 $0xFFFF8000  }
0xd0: {  	[tilespmem:s11], [sflag:$0x2] =	stream.indirect.gather [hbm4b:s2+s9], $0x80, s15, s9, $0xb8;
	[tilespmem:$0x18400] =	vst v63  }
0xd1: {  	_ =	swait.ge [sflag:s18], $0x8000  }
0xd2: {  	[sflag:s18] =	ssyncset.done $0x0  }
0xd3: {  	[sflag:s18] =	ssyncadd.s32 $0xFFFF8000  }
0xd4: {  	[hbm4b:s20+s6] =	stream.linear.scatter [tilespmem:s12], [sflag:$0x6], $0x8000, $0x38;
	[tilespmem:$0x18400] =	vst v63  }
0xd5: {  	_ =	swait.ge [sflag:s19], $0x8000  }
0xd6: {  	[sflag:s19] =	ssyncset.done $0x0  }
0xd7: {  	[sflag:s19] =	ssyncadd.s32 $0xFFFF8000  }
0xd8: {  	[tilespmem:s12], [sflag:$0x3] =	stream.indirect.gather [hbm4b:s4+s9], $0x80, s6, s9, $0xb8;
	[tilespmem:$0x18400] =	vst v63  }
0xd9: {  	_ =	swait.ge [sflag:s13], $0x8000  }
0xda: {  	[sflag:s13] =	ssyncset.done $0x0  }
0xdb: {  	[sflag:s13] =	ssyncadd.s32 $0xFFFF8000  }
0xdc: {  	[hbm4b:s21+s6] =	stream.linear.scatter [tilespmem:s10], [sflag:$0x4], $0x8000, $0x38;
	[tilespmem:$0x18400] =	vst v63  }
0xdd: {  	_ =	swait.ge [sflag:s14], $0x8000  }
0xde: {  	[sflag:s14] =	ssyncset.done $0x0  }
0xdf: {  	[sflag:s14] =	ssyncadd.s32 $0xFFFF8000  }
0xe0: {  	[tilespmem:s10], [sflag:$0x1] =	stream.indirect.gather [hbm4b:s4+s9], $0x80, s9, s9, $0xb8;
	[tilespmem:$0x18400] =	vst v63  }
0xe1: {  	_ =	swait.ge [sflag:s16], $0x8000  }
0xe2: {  	[sflag:s16] =	ssyncset.done $0x0  }
0xe3: {  	[sflag:s16] =	ssyncadd.s32 $0xFFFF8000  }
0xe4: {  	[hbm4b:s22+s6] =	stream.linear.scatter [tilespmem:s11], [sflag:$0x5], $0x8000, $0x38;
	[tilespmem:$0x18400] =	vst v63  }
0xe5: {  	_ =	swait.ge [sflag:s17], $0x8000  }
0xe6: {  	[sflag:s17] =	ssyncset.done $0x0  }
0xe7: {  	[sflag:s17] =	ssyncadd.s32 $0xFFFF8000  }
0xe8: {  	[tilespmem:s11], [sflag:$0x2] =	stream.indirect.gather [hbm4b:s4+s9], $0x80, s8, s9, $0xb8;
	[tilespmem:$0x18400] =	vst v63  }
0xe9: {  	_ =	swait.ge [sflag:s18], $0x8000  }
0xea: {  	[sflag:s18] =	ssyncset.done $0x0  }
0xeb: {  	[sflag:s18] =	ssyncadd.s32 $0xFFFF8000  }
0xec: {  	[hbm4b:s23+s6] =	stream.linear.scatter [tilespmem:s12], [sflag:$0x6], $0x8000, $0x38;
	[tilespmem:$0x18400] =	vst v63  }
0xed: {  	_ =	swait.ge [sflag:s19], $0x8000  }
0xee: {  	[sflag:s19] =	ssyncset.done $0x0  }
0xef: {  	[sflag:s19] =	ssyncadd.s32 $0xFFFF8000  }
0xf0: {  	[tilespmem:s12], [sflag:$0x3] =	stream.indirect.gather [hbm4b:s4+s9], $0x80, s15, s9, $0xb8;
	[tilespmem:$0x18400] =	vst v63  }
0xf1: {  	_ =	swait.ge [sflag:s13], $0x8000  }
0xf2: {  	[sflag:s13] =	ssyncset.done $0x0  }
0xf3: {  	[sflag:s13] =	ssyncadd.s32 $0xFFFF8000  }
0xf4: {  	[hbm4b:s24+s6] =	stream.linear.scatter [tilespmem:s10], [sflag:$0x4], $0x8000, $0x38;
	[tilespmem:$0x18400] =	vst v63  }
0xf5: {  	_ =	swait.ge [sflag:s14], $0x8000  }
0xf6: {  	[sflag:s14] =	ssyncset.done $0x0  }
0xf7: {  	[sflag:s14] =	ssyncadd.s32 $0xFFFF8000  }
0xf8: {  	[tilespmem:s10], [sflag:$0x1] =	stream.indirect.gather [hbm4b:s5+s9], $0x80, s6, s9, $0xb8;
	[tilespmem:$0x18400] =	vst v63  }
0xf9: {  	_ =	swait.ge [sflag:s16], $0x8000  }
0xfa: {  	[sflag:s16] =	ssyncset.done $0x0  }
0xfb: {  	[sflag:s16] =	ssyncadd.s32 $0xFFFF8000  }
0xfc: {  	[hbm4b:s25+s6] =	stream.linear.scatter [tilespmem:s11], [sflag:$0x5], $0x8000, $0x38;
	[tilespmem:$0x18400] =	vst v63  }
0xfd: {  	_ =	swait.ge [sflag:s17], $0x8000  }
0xfe: {  	[sflag:s17] =	ssyncset.done $0x0  }
0xff: {  	[sflag:s17] =	ssyncadd.s32 $0xFFFF8000  }
0x100: {  	[tilespmem:s11], [sflag:$0x2] =	stream.indirect.gather [hbm4b:s5+s9], $0x80, s9, s9, $0xb8;
	[tilespmem:$0x18400] =	vst v63  }
0x101: {  	_ =	swait.ge [sflag:s18], $0x8000  }
0x102: {  	[sflag:s18] =	ssyncset.done $0x0  }
0x103: {  	[sflag:s18] =	ssyncadd.s32 $0xFFFF8000  }
0x104: {  	[hbm4b:s26+s6] =	stream.linear.scatter [tilespmem:s12], [sflag:$0x6], $0x8000, $0x38;
	[tilespmem:$0x18400] =	vst v63  }
0x105: {  	_ =	swait.ge [sflag:s19], $0x8000  }
0x106: {  	[sflag:s19] =	ssyncset.done $0x0  }
0x107: {  	[sflag:s19] =	ssyncadd.s32 $0xFFFF8000  }
0x108: {  	[tilespmem:s12], [sflag:$0x3] =	stream.indirect.gather [hbm4b:s5+s9], $0x80, s8, s9, $0xb8;
	[tilespmem:$0x18400] =	vst v63  }
0x109: {  	_ =	swait.ge [sflag:s13], $0x8000  }
0x10a: {  	[sflag:s13] =	ssyncset.done $0x0  }
0x10b: {  	[sflag:s13] =	ssyncadd.s32 $0xFFFF8000  }
0x10c: {  	[hbm4b:s28+s6] =	stream.linear.scatter [tilespmem:s10], [sflag:$0x4], $0x8000, $0x38;
	[tilespmem:$0x18400] =	vst v63  }
0x10d: {  	_ =	swait.ge [sflag:s14], $0x8000  }
0x10e: {  	[sflag:s14] =	ssyncset.done $0x0  }
0x10f: {  	[sflag:s14] =	ssyncadd.s32 $0xFFFF8000  }
0x110: {  	[tilespmem:s10], [sflag:$0x1] =	stream.indirect.gather [hbm4b:s5+s9], $0x80, s15, s9, $0xb8;
	[tilespmem:$0x18400] =	vst v63  }
0x111: {  	_ =	swait.ge [sflag:s16], $0x8000  }
0x112: {  	[sflag:s16] =	ssyncset.done $0x0  }
0x113: {  	[sflag:s16] =	ssyncadd.s32 $0xFFFF8000  }
0x114: {  	[hbm4b:s29+s6] =	stream.linear.scatter [tilespmem:s11], [sflag:$0x5], $0x8000, $0x38;
	[tilespmem:$0x18400] =	vst v63  }
0x115: {  	_ =	swait.ge [sflag:s18], $0x8000  }
0x116: {  	[sflag:s18] =	ssyncset.done $0x0  }
0x117: {  	[sflag:s18] =	ssyncadd.s32 $0xFFFF8000  }
0x118: {  	[hbm4b:s30+s6] =	stream.linear.scatter [tilespmem:s12], [sflag:$0x6], $0x8000, $0x38;
	[tilespmem:$0x18400] =	vst v63  }
0x119: {  	_ =	swait.ge [sflag:s13], $0x8000  }
0x11a: {  	[sflag:s13] =	ssyncset.done $0x0  }
0x11b: {  	[sflag:s13] =	ssyncadd.s32 $0xFFFF8000  }
0x11c: {  	[hbm4b:s31+s6] =	stream.linear.scatter [tilespmem:s10], [sflag:$0x4], $0x8000, $0x38;
	[tilespmem:$0x18400] =	vst v63  }
0x11d: {  	_ =	swait.ge [sflag:s17], $0x8000  }
0x11e: {  	p0 =	sne.s32 s3, $0x1;
	[sflag:s17] =	ssyncset.done $0x0  }
.Ltmp1:
0x11f: {  	[sflag:s17] =	ssyncadd.s32 $0xFFFF8000;
	(pc) =	sbr.rel @p0 .LBB2_1-.Ltmp1, $4  }
0x120: {  	_ =	swait.ge [sflag:s19], $0x8000  }
0x121: {  	[sflag:s19] =	ssyncset.done $0x0  }
0x122: {  	[sflag:s19] =	ssyncadd.s32 $0xFFFF8000  }
0x123: {  	s3 =	sadd.s32 $0xFFFFFFFF, s3;
	_ =	swait.ge [sflag:s14], $0x8000  }
.LBB2_2:
0x124: {  	[sflag:s14] =	ssyncset.done $0x0  }
0x125: {  	[sflag:s14] =	ssyncadd.s32 $0xFFFF8000  }
0x126: {  	_ =	sfence.sel $0x180000  }
0x127: {  	[bflag:$0x0] =	sbarrier.arrive $0xFFFF  }
0x128: {  	_ =	strace $0x90000047  }
0x129: {  	s0 =	stileid.u32;
	[bflag:$0x2] =	sbarrier.arrive $0xFFFF  }
0x12a: {  	p0 =	sne.s32 s0, $0x0;
	s0 =	rddreg [dreg:$0x7]  }
0x12b: {  	s0 =	sadd.s32 @!p0 $0x100000, s0  }
0x12c: {  	[sflag:s0] =	ssyncadd.tile.s32 @!p0 $0x1;
	_ =	shalt  }
.Lfunc_end2:
_tile_overlayer_lowered:
.L_overlay_start_2:
0x12d: {  	(tag) =	ssettag $0x2  }
0x12e: {  	s0 =	rddreg [dreg:$0x0];
	s2 =	stileid.u32  }
0x12f: {  	s1 =	rddreg [dreg:$0x1];
	p0 =	sne.s32 s2, $0x0  }
0x130: {  	s3 =	rddreg [dreg:$0x2];
	[bflag:$0x3] =	sbarrier.arrive $0xFFFF;
	s2 =	simm.s32 @!p0 $0x1C07  }
0x131: {  	[timem:s3], [sflag:s2] =	dma.local @!p0 [hbm:s0], s1  }
0x132: {  	s0 =	simm.s32 @!p0 $0x7  }
0x133: {  	_ =	swait.ge @!p0 [sflag:s0], s1  }
0x134: {  	s1 =	ssub.s32 @!p0 $0x0, s1;
	[sflag:s0] =	ssyncset.done @!p0 $0x0  }
0x135: {  	[sflag:s0] =	ssyncadd.s32 @!p0 s1  }
0x136: {  	[bflag:$0x3] =	sbarrier.arrive $0xFFFF  }
0x137: {  	_ =	shalt  }

</sc_bundles>
